<compile_context>
chip_gen: v7x
topology: tpu7x:2x2x1
jax: 0.10.2.dev20260603
libtpu: 0.0.44.dev20260713+nightly
codegen_flags: <defaults>
</compile_context>

<pallas_src>
import functools

import jax
import jax.numpy as jnp
from jax import lax
from jax.experimental import pallas as pl
from jax.experimental.pallas import tpu as pltpu
from jax.experimental.pallas import tpu_sc as plsc

N = 10000
NP = 10240
E_EDGES = 160000
EP = 163840
D_EDGE = 16
FG = 128
F1 = 112
F2 = 48
NC, NS = 2, 16
NW = NC * NS
CH = 40
PT = EP // NW
MBLK = 1000
GBLK = 2048


def _lin_body(h_ref, w_ref, b_ref, o_ref):
    o_ref[...] = jnp.dot(h_ref[...], w_ref[...],
                         preferred_element_type=jnp.float32) + b_ref[...]


def _node_linear(h, w, b):
    m, k = h.shape
    f = w.shape[1]
    return pl.pallas_call(
        _lin_body,
        grid=(m // MBLK,),
        in_specs=[
            pl.BlockSpec((MBLK, k), lambda i: (i, 0)),
            pl.BlockSpec((k, f), lambda i: (0, 0)),
            pl.BlockSpec((1, f), lambda i: (0, 0)),
        ],
        out_specs=pl.BlockSpec((MBLK, f), lambda i: (i, 0)),
        out_shape=jax.ShapeDtypeStruct((m, f), jnp.float32),
    )(h, w, b)


def _gate_body(e_ref, w_ref, b_ref, o_ref):
    x = jnp.dot(e_ref[...].astype(jnp.bfloat16),
                w_ref[...].astype(jnp.bfloat16),
                preferred_element_type=jnp.float32) + b_ref[...]
    o_ref[...] = jax.nn.sigmoid(x)


def _edge_gate(e, w, b):
    f = w.shape[1]
    last_blk = E_EDGES // GBLK
    return pl.pallas_call(
        _gate_body,
        grid=(EP // GBLK,),
        in_specs=[
            pl.BlockSpec((GBLK, D_EDGE), lambda i: (jnp.minimum(i, last_blk), 0)),
            pl.BlockSpec((D_EDGE, f), lambda i: (0, 0)),
            pl.BlockSpec((1, f), lambda i: (0, 0)),
        ],
        out_specs=pl.BlockSpec((GBLK, f), lambda i: (i, 0)),
        out_shape=jax.ShapeDtypeStruct((EP, f), jnp.float32),
    )(e, w, b)


def _layer2_body(p0_ref, p1_ref, l_ref, w_ref, b_ref, o_ref):
    h = jnp.maximum(p0_ref[...] + p1_ref[...] + l_ref[...], 0.0)
    o_ref[...] = jnp.dot(h, w_ref[...],
                         preferred_element_type=jnp.float32) + b_ref[...]


def _layer2_linear(p0, p1, lin1, w, b):
    f = w.shape[1]
    return pl.pallas_call(
        _layer2_body,
        grid=(N // MBLK,),
        in_specs=[
            pl.BlockSpec((MBLK, FG), lambda i: (i, 0)),
            pl.BlockSpec((MBLK, FG), lambda i: (i, 0)),
            pl.BlockSpec((MBLK, FG), lambda i: (i, 0)),
            pl.BlockSpec((FG, f), lambda i: (0, 0)),
            pl.BlockSpec((1, f), lambda i: (0, 0)),
        ],
        out_specs=pl.BlockSpec((MBLK, f), lambda i: (i, 0)),
        out_shape=jax.ShapeDtypeStruct((N, f), jnp.float32),
    )(p0, p1, lin1, w, b)


def _final_body(p0_ref, p1_ref, l_ref, o_ref):
    x = p0_ref[...] + p1_ref[...] + l_ref[...]
    col = lax.broadcasted_iota(jnp.int32, x.shape, 1)
    xm = jnp.where(col < 40, x, -1e30)
    m = jnp.max(xm, axis=1, keepdims=True)
    lse = jnp.log(jnp.sum(jnp.exp(xm - m), axis=1, keepdims=True)) + m
    o_ref[...] = (x - lse)[:, :40]


def _final_logsoftmax(p0, p1, lin2):
    return pl.pallas_call(
        _final_body,
        grid=(N // MBLK,),
        in_specs=[
            pl.BlockSpec((MBLK, FG), lambda i: (i, 0)),
            pl.BlockSpec((MBLK, FG), lambda i: (i, 0)),
            pl.BlockSpec((MBLK, FG), lambda i: (i, 0)),
        ],
        out_specs=pl.BlockSpec((MBLK, 40), lambda i: (i, 0)),
        out_shape=jax.ShapeDtypeStruct((N, 40), jnp.float32),
    )(p0, p1, lin2)


def _sc_gather_mul_scatter(lin, gate, src2, dst2, fv):
    rows_per_sub = NP // NS
    n_ch = PT // CH
    mesh = plsc.VectorSubcoreMesh(core_axis_name="c", subcore_axis_name="s")

    @functools.partial(
        pl.kernel,
        out_type=jax.ShapeDtypeStruct((NC, NP, FG), jnp.float32),
        mesh=mesh,
        scratch_types=[
            pltpu.VMEM_SHARED((NP, FG), jnp.float32),
            pltpu.VMEM((PT,), jnp.int32),
            pltpu.VMEM((CH,), jnp.int32),
            pltpu.VMEM((CH,), jnp.int32),
            pltpu.VMEM((CH, FG), jnp.float32),
            pltpu.VMEM((CH, FG), jnp.float32),
            pltpu.VMEM((CH, FG), jnp.float32),
            pltpu.VMEM((CH, FG), jnp.float32),
            pltpu.SemaphoreType.DMA,
            pltpu.SemaphoreType.DMA,
            pltpu.SemaphoreType.DMA,
            pltpu.SemaphoreType.DMA,
            pltpu.SemaphoreType.DMA,
            pltpu.SemaphoreType.DMA,
            pltpu.SemaphoreType.DMA,
            pltpu.SemaphoreType.DMA,
        ],
    )
    def sc_kernel(lin_hbm, gate_hbm, src_hbm, dst_hbm, out_hbm,
                  acc, src_all, dst0, dst1, rows0, rows1, gv0, gv1,
                  sem_r0, sem_r1, sem_g0, sem_g1,
                  sem_d0, sem_d1, sem_s0, sem_s1):
        cid = lax.axis_index("c")
        sid = lax.axis_index("s")
        wid = sid * NC + cid
        cb = wid * n_ch

        bufs = ((rows0, gv0, dst0, sem_r0, sem_g0, sem_d0, sem_s0),
                (rows1, gv1, dst1, sem_r1, sem_g1, sem_d1, sem_s1))

        @pl.loop(0, CH)
        def _(i):
            @pl.loop(0, FG, step=16)
            def _(q):
                rows0[i, pl.ds(q, 16)] = jnp.zeros((16,), jnp.float32)

        @pl.loop(0, rows_per_sub, step=CH)
        def _(r):
            pltpu.sync_copy(rows0, acc.at[pl.ds(sid * rows_per_sub + r, CH)])

        pltpu.sync_copy(src_hbm.at[pl.ds(wid * PT, PT)], src_all)

        plsc.subcore_barrier()

        def fire(cg, rows, gv, dstv, sem_r, sem_g, sem_d):
            pltpu.async_copy(lin_hbm.at[src_all.at[pl.ds(cg * CH, CH)]],
                             rows, sem_r)
            pltpu.async_copy(gate_hbm.at[pl.ds((cb + cg) * CH, CH)], gv, sem_g)
            pltpu.async_copy(dst_hbm.at[pl.ds(wid * PT + cg * CH, CH)],
                             dstv, sem_d)

        for b in range(2):
            rows, gv, dstv, sem_r, sem_g, sem_d, _ = bufs[b]
            fire(b, rows, gv, dstv, sem_r, sem_g, sem_d)

        @pl.loop(0, n_ch, step=2)
        def _(c):
            for b in range(2):
                rows, gv, dstv, sem_r, sem_g, sem_d, sem_s = bufs[b]
                cg = c + b
                pltpu.make_async_copy(lin_hbm.at[src_all.at[pl.ds(cg * CH, CH)]],
                                      rows, sem_r).wait()
                pltpu.make_async_copy(gate_hbm.at[pl.ds((cb + cg) * CH, CH)],
                                      gv, sem_g).wait()
                pltpu.make_async_copy(dst_hbm.at[pl.ds(wid * PT + cg * CH, CH)],
                                      dstv, sem_d).wait()

                @pl.loop(0, CH)
                def _(i, rows=rows, gv=gv):
                    for q in range(0, fv, 16):
                        rows[i, pl.ds(q, 16)] = (rows[i, pl.ds(q, 16)]
                                                 * gv[i, pl.ds(q, 16)])

                pltpu.async_copy(rows, acc.at[dstv], sem_s, add=True)

            for b in range(2):
                rows, gv, dstv, sem_r, sem_g, sem_d, sem_s = bufs[b]
                cg = c + b

                @pl.when(cg + 2 < n_ch)
                def _(rows=rows, gv=gv, dstv=dstv, cg=cg,
                      sem_r=sem_r, sem_g=sem_g, sem_d=sem_d, sem_s=sem_s):
                    pltpu.make_async_copy(rows, acc.at[dst0],
                                          sem_s).wait()
                    fire(cg + 2, rows, gv, dstv, sem_r, sem_g, sem_d)

        for b in range(2):
            rows = bufs[b][0]
            sem_s = bufs[b][6]
            pltpu.make_async_copy(rows, acc.at[dst0], sem_s).wait()

        plsc.subcore_barrier()

        @pl.loop(0, rows_per_sub, step=CH)
        def _(r):
            row = sid * rows_per_sub + r
            pltpu.sync_copy(acc.at[pl.ds(row, CH)],
                            out_hbm.at[cid, pl.ds(row, CH)])

    return sc_kernel(lin, gate, src2, dst2)


def kernel(H, A, E, W1, b1, We1, be1, W2, b2, We2, be2):
    pad_e = EP - E_EDGES
    src = A[0]
    dst = A[1]
    srcp = jnp.concatenate(
        [src, jnp.arange(pad_e, dtype=jnp.int32) % N])
    dstp = jnp.concatenate(
        [dst, N + (jnp.arange(pad_e, dtype=jnp.int32) % (NP - N))])

    W1p = jnp.pad(W1, ((0, 0), (0, FG - 100)))
    b1p = jnp.pad(b1, (0, FG - 100)).reshape(1, FG)
    We1p = jnp.pad(We1, ((0, 0), (0, FG - 100)))
    be1p = jnp.pad(be1, (0, FG - 100)).reshape(1, FG)
    W2p = jnp.pad(W2, ((0, FG - 100), (0, FG - 40)))
    b2p = jnp.pad(b2, (0, FG - 40)).reshape(1, FG)
    We2p = jnp.pad(We2, ((0, 0), (0, FG - 40)))
    be2p = jnp.pad(be2, (0, FG - 40)).reshape(1, FG)

    lin1 = _node_linear(H, W1p, b1p)
    gate1 = _edge_gate(E, We1p, be1p)
    p1 = _sc_gather_mul_scatter(lin1, gate1, srcp, dstp, F1)
    gate2 = _edge_gate(E, We2p, be2p)
    lin2 = _layer2_linear(p1[0], p1[1], lin1, W2p, b2p)
    p2 = _sc_gather_mul_scatter(lin2, gate2, srcp, dstp, F2)
    return _final_logsoftmax(p2[0], p2[1], lin2)

# --- scband reference (transcript-rebuilt; emitter-appended) ---
"""Pipeline reference for scband-ipw-net-30520037605940 (READ-ONLY COPY).

The authoritative reference and input builder live on the scoring server;
editing this copy changes nothing except your own understanding.
"""

import jax, jax.numpy as jnp
import numpy as np

N_NODES = 10000
N_EDGES = 160000
D_NODE = 256
D_EDGE = 16
HIDDEN = 100
N_CLASSES = 40


def setup_inputs(seed: int = 0) -> dict:
    key = jax.random.key(seed)
    ks = jax.random.split(key, 12)
    H = jax.random.normal(ks[0], (N_NODES, D_NODE), dtype=jnp.float32)
    A = jax.random.randint(ks[1], (2, N_EDGES), 0, N_NODES, dtype=jnp.int32)
    E = jax.random.normal(ks[2], (N_EDGES, D_EDGE), dtype=jnp.float32)
    # IPW layer 1 params (d_node -> 100, edge-gated)
    W1 = jax.random.normal(ks[3], (D_NODE, HIDDEN), dtype=jnp.float32) * 0.05
    b1 = jnp.zeros((HIDDEN,), dtype=jnp.float32)
    We1 = jax.random.normal(ks[4], (D_EDGE, HIDDEN), dtype=jnp.float32) * 0.05
    be1 = jnp.zeros((HIDDEN,), dtype=jnp.float32)
    # IPW layer 2 params (100 -> n_classes, edge-gated)
    W2 = jax.random.normal(ks[5], (HIDDEN, N_CLASSES), dtype=jnp.float32) * 0.05
    b2 = jnp.zeros((N_CLASSES,), dtype=jnp.float32)
    We2 = jax.random.normal(ks[6], (D_EDGE, N_CLASSES), dtype=jnp.float32) * 0.05
    be2 = jnp.zeros((N_CLASSES,), dtype=jnp.float32)
    return {"H": H, "A": A, "E": E, "W1": W1, "b1": b1, "We1": We1, "be1": be1,
            "W2": W2, "b2": b2, "We2": We2, "be2": be2}


def reference(H, A, E, W1, b1, We1, be1, W2, b2, We2, be2):
    # IPW: edge-gated message passing layer.
    #   lin  = H @ W + b                 (node transform)
    #   gate = sigmoid(E @ We + be)      (edge-conditioned gate)
    #   msg  = lin[src] * gate
    #   out  = scatter_add(msg -> dst) + lin   (aggregation + self/root term)
    N = H.shape[0]
    src = A[0]
    dst = A[1]

    def ipw(Hl, W, b, We, be):
        lin = Hl @ W + b
        gate = jax.nn.sigmoid(E @ We + be)
        msg = jnp.take(lin, src, axis=0) * gate
        agg = jax.ops.segment_sum(msg, dst, num_segments=N)
        return agg + lin

    h = jax.nn.relu(ipw(H, W1, b1, We1, be1))
    # F.dropout(H, 0.5): identity in deterministic/eval reference
    out = ipw(h, W2, b2, We2, be2)
    return jax.nn.log_softmax(out, axis=1)

if __name__ == "__main__":
    import jax
    _d = setup_inputs()
    print(jax.jit(kernel)(*tuple(_d.values())))

</pallas_src>

<mosaic_0001>
#map = affine_map<(d0, d1) -> (0, 0)>
#map1 = affine_map<(d0, d1) -> (0)>
#map2 = affine_map<(d0, d1) -> (0, 0, 0)>
module attributes {stable_mosaic.version = 14 : i64} {
  func.func @sc_kernel(%arg0: i32, %arg1: i32, %arg2: memref<10000x128xf32, #tpu.memory_space<hbm>>, %arg3: memref<163840x128xf32, #tpu.memory_space<hbm>>, %arg4: memref<163840xi32, #tpu.memory_space<hbm>>, %arg5: memref<163840xi32, #tpu.memory_space<hbm>>, %arg6: memref<2x10240x128xf32, #tpu.memory_space<hbm>>, %arg7: memref<10240x128xf32, #tpu.memory_space<vmem_shared>>, %arg8: memref<5120xi32, #tpu.memory_space<vmem>>, %arg9: memref<40xi32, #tpu.memory_space<vmem>>, %arg10: memref<40xi32, #tpu.memory_space<vmem>>, %arg11: memref<40x128xf32, #tpu.memory_space<vmem>>, %arg12: memref<40x128xf32, #tpu.memory_space<vmem>>, %arg13: memref<40x128xf32, #tpu.memory_space<vmem>>, %arg14: memref<40x128xf32, #tpu.memory_space<vmem>>, %arg15: memref<!tpu.dma_semaphore, #tpu.memory_space<semaphore_mem>>, %arg16: memref<!tpu.dma_semaphore, #tpu.memory_space<semaphore_mem>>, %arg17: memref<!tpu.dma_semaphore, #tpu.memory_space<semaphore_mem>>, %arg18: memref<!tpu.dma_semaphore, #tpu.memory_space<semaphore_mem>>, %arg19: memref<!tpu.dma_semaphore, #tpu.memory_space<semaphore_mem>>, %arg20: memref<!tpu.dma_semaphore, #tpu.memory_space<semaphore_mem>>, %arg21: memref<!tpu.dma_semaphore, #tpu.memory_space<semaphore_mem>>, %arg22: memref<!tpu.dma_semaphore, #tpu.memory_space<semaphore_mem>>) attributes {dimension_semantics = [#tpu.dimension_semantics<core_parallel>, #tpu.dimension_semantics<subcore_parallel>], iteration_bounds = array<i64: 2, 16>, scalar_prefetch = 0 : i64, scratch_operands = 16 : i64, tpu.core_type = #tpu.core_type<sc_vector_subcore>, window_params = [{transform_indices = #map}, {transform_indices = #map}, {transform_indices = #map1}, {transform_indices = #map1}, {transform_indices = #map2}]} {
    %mul3A = arith.constant 2 : i32
    %mul3A_0 = arith.muli %arg1, %mul3A : i32
    %add3A = arith.addi %mul3A_0, %arg0 : i32
    %mul3A_1 = arith.constant 128 : i32
    %mul3A_2 = arith.muli %add3A, %mul3A_1 : i32
    %scan3A = arith.constant 0 : i32
    %scan3A_3 = arith.constant 40 : i32
    %scan3A_4 = arith.addi %scan3A, %scan3A_3 : i32
    %scan3A_5 = arith.constant 1 : i32
    scf.for %scan3A_67 = %scan3A to %scan3A_4 step %scan3A_5  : i32 {
      %mul3A_68 = arith.constant 1 : i32
      %mul3A_69 = arith.muli %scan3A_67, %mul3A_68 : i32
      %add3A_70 = arith.constant 0 : i32
      %add3A_71 = arith.addi %add3A_70, %mul3A_69 : i32
      %scan3A_72 = arith.constant 0 : i32
      %scan3A_73 = arith.constant 8 : i32
      %scan3A_74 = arith.addi %scan3A_72, %scan3A_73 : i32
      %scan3A_75 = arith.constant 1 : i32
      scf.for %scan3A_77 = %scan3A_72 to %scan3A_74 step %scan3A_75  : i32 {
        %mul3A_78 = arith.constant 16 : i32
        %mul3A_79 = arith.muli %scan3A_77, %mul3A_78 : i32
        %add3A_80 = arith.constant 0 : i32
        %add3A_81 = arith.addi %add3A_80, %mul3A_79 : i32
        %broadcast_in_dim3A = arith.constant 0.000000e+00 : f32
        %broadcast_in_dim3A_82 = vector.broadcast %broadcast_in_dim3A : f32 to vector<16xf32>
        %swap3A = arith.index_cast %add3A_71 : i32 to index
        %swap3A_83 = arith.index_cast %add3A_81 : i32 to index
        %swap3A_84 = tpu.vector_load %arg11[%swap3A, %swap3A_83] {strides = array<i32>} : memref<40x128xf32, #tpu.memory_space<vmem>>, vector<1x16xf32>,
        %swap3A_85 = vector.shape_cast %swap3A_84 : vector<1x16xf32> to vector<16xf32>
        %swap3A_86 = vector.shape_cast %broadcast_in_dim3A_82 : vector<16xf32> to vector<1x16xf32>
        tpu.vector_store %arg11[%swap3A, %swap3A_83], %swap3A_86 {strides = array<i32>} : memref<40x128xf32, #tpu.memory_space<vmem>>, vector<1x16xf32>,
      }
      %scan3A_76 = arith.constant 8 : i32
    }
    %scan3A_6 = arith.constant 40 : i32
    %scan3A_7 = arith.constant 0 : i32
    %scan3A_8 = arith.constant 16 : i32
    %scan3A_9 = arith.addi %scan3A_7, %scan3A_8 : i32
    %scan3A_10 = arith.constant 1 : i32
    scf.for %scan3A_67 = %scan3A_7 to %scan3A_9 step %scan3A_10  : i32 {
      %mul3A_68 = arith.constant 40 : i32
      %mul3A_69 = arith.muli %scan3A_67, %mul3A_68 : i32
      %add3A_70 = arith.constant 0 : i32
      %add3A_71 = arith.addi %add3A_70, %mul3A_69 : i32
      %mul3A_72 = arith.constant 640 : i32
      %mul3A_73 = arith.muli %arg1, %mul3A_72 : i32
      %add3A_74 = arith.addi %mul3A_73, %add3A_71 : i32
      "tpu.region"() ({
        %run_scoped3A = tpu.sem_alloc : memref<!tpu.dma_semaphore, #tpu.memory_space<semaphore_mem>>
        %dma_start3A_75 = arith.constant 0 : i32
        %dma_start3A_76 = tpu.memref_slice %arg7[%add3A_74, %dma_start3A_75] : memref<10240x128xf32, #tpu.memory_space<vmem_shared>> -> memref<40x128xf32, #tpu.memory_space<vmem_shared>>
        %dma_start3A_77 = arith.constant 0 : i32
        %dma_start3A_78 = tpu.memref_slice %arg7[%add3A_74, %dma_start3A_77] : memref<10240x128xf32, #tpu.memory_space<vmem_shared>> -> memref<40x128xf32, #tpu.memory_space<vmem_shared>>
        tpu.enqueue_dma source(%arg11 : memref<40x128xf32, #tpu.memory_space<vmem>>) target(%dma_start3A_78 : memref<40x128xf32, #tpu.memory_space<vmem_shared>>) target_semaphore(%run_scoped3A : memref<!tpu.dma_semaphore, #tpu.memory_space<semaphore_mem>>)
        %dma_wait3A_79 = arith.constant 0 : i32
        %dma_wait3A_80 = tpu.memref_slice %arg7[%add3A_74, %dma_wait3A_79] : memref<10240x128xf32, #tpu.memory_space<vmem_shared>> -> memref<40x128xf32, #tpu.memory_space<vmem_shared>>
        %dma_wait3A_81 = arith.constant 0 : i32
        %dma_wait3A_82 = tpu.memref_slice %arg7[%add3A_74, %dma_wait3A_81] : memref<10240x128xf32, #tpu.memory_space<vmem_shared>> -> memref<40x128xf32, #tpu.memory_space<vmem_shared>>
        tpu.wait_dma2 semaphore(%run_scoped3A : memref<!tpu.dma_semaphore, #tpu.memory_space<semaphore_mem>>) src(%arg11 : memref<40x128xf32, #tpu.memory_space<vmem>>) dst(%dma_wait3A_82 : memref<40x128xf32, #tpu.memory_space<vmem_shared>>)
        tpu.yield
      }) : () -> ()
    }
    %scan3A_11 = arith.constant 16 : i32
    %mul3A_12 = arith.constant 5120 : i32
    %mul3A_13 = arith.muli %add3A, %mul3A_12 : i32
    "tpu.region"() ({
      %run_scoped3A = tpu.sem_alloc : memref<!tpu.dma_semaphore, #tpu.memory_space<semaphore_mem>>
      %dma_start3A_67 = tpu.memref_slice %arg4[%mul3A_13] : memref<163840xi32, #tpu.memory_space<hbm>> -> memref<5120xi32, #tpu.memory_space<hbm>>
      %dma_start3A_68 = tpu.memref_slice %arg4[%mul3A_13] : memref<163840xi32, #tpu.memory_space<hbm>> -> memref<5120xi32, #tpu.memory_space<hbm>>
      tpu.enqueue_dma source(%dma_start3A_68 : memref<5120xi32, #tpu.memory_space<hbm>>) target(%arg8 : memref<5120xi32, #tpu.memory_space<vmem>>) target_semaphore(%run_scoped3A : memref<!tpu.dma_semaphore, #tpu.memory_space<semaphore_mem>>)
      %dma_wait3A_69 = tpu.memref_slice %arg4[%mul3A_13] : memref<163840xi32, #tpu.memory_space<hbm>> -> memref<5120xi32, #tpu.memory_space<hbm>>
      %dma_wait3A_70 = tpu.memref_slice %arg4[%mul3A_13] : memref<163840xi32, #tpu.memory_space<hbm>> -> memref<5120xi32, #tpu.memory_space<hbm>>
      tpu.wait_dma2 semaphore(%run_scoped3A : memref<!tpu.dma_semaphore, #tpu.memory_space<semaphore_mem>>) src(%dma_wait3A_70 : memref<5120xi32, #tpu.memory_space<hbm>>) dst(%arg8 : memref<5120xi32, #tpu.memory_space<vmem>>)
      tpu.yield
    }) : () -> ()
    %barrier3A = arith.constant 0 : index
    tpu.barrier barrier_id(%barrier3A)
    %dma_start3A = arith.constant 0 : i32
    %dma_start3A_14 = tpu.memref_slice %arg8[%dma_start3A] : memref<5120xi32, #tpu.memory_space<vmem>> -> memref<40xi32, #tpu.memory_space<vmem>>
    %dma_start3A_15 = arith.constant 0 : i32
    %dma_start3A_16 = arith.constant 0 : i32
    %dma_start3A_17 = tpu.memref_slice %arg2[%dma_start3A_15, %dma_start3A_16] : memref<10000x128xf32, #tpu.memory_space<hbm>> -> memref<10000x128xf32, #tpu.memory_space<hbm>>
    tpu.enqueue_indirect_dma source(%dma_start3A_17 : memref<10000x128xf32, #tpu.memory_space<hbm>>) target(%arg11 : memref<40x128xf32, #tpu.memory_space<vmem>>) offsets(%dma_start3A_14 : memref<40xi32, #tpu.memory_space<vmem>>) semaphore(%arg15 : memref<!tpu.dma_semaphore, #tpu.memory_space<semaphore_mem>>)
    %add3A_18 = arith.constant 0 : i32
    %add3A_19 = arith.addi %mul3A_2, %add3A_18 : i32
    %mul3A_20 = arith.constant 40 : i32
    %mul3A_21 = arith.muli %add3A_19, %mul3A_20 : i32
    %dma_start3A_22 = arith.constant 0 : i32
    %dma_start3A_23 = tpu.memref_slice %arg3[%mul3A_21, %dma_start3A_22] : memref<163840x128xf32, #tpu.memory_space<hbm>> -> memref<40x128xf32, #tpu.memory_space<hbm>>
    %dma_start3A_24 = arith.constant 0 : i32
    %dma_start3A_25 = tpu.memref_slice %arg3[%mul3A_21, %dma_start3A_24] : memref<163840x128xf32, #tpu.memory_space<hbm>> -> memref<40x128xf32, #tpu.memory_space<hbm>>
    tpu.enqueue_dma source(%dma_start3A_25 : memref<40x128xf32, #tpu.memory_space<hbm>>) target(%arg13 : memref<40x128xf32, #tpu.memory_space<vmem>>) target_semaphore(%arg17 : memref<!tpu.dma_semaphore, #tpu.memory_space<semaphore_mem>>)
    %mul3A_26 = arith.constant 5120 : i32
    %mul3A_27 = arith.muli %add3A, %mul3A_26 : i32
    %add3A_28 = arith.constant 0 : i32
    %add3A_29 = arith.addi %mul3A_27, %add3A_28 : i32
    %dma_start3A_30 = tpu.memref_slice %arg5[%add3A_29] : memref<163840xi32, #tpu.memory_space<hbm>> -> memref<40xi32, #tpu.memory_space<hbm>>
    %dma_start3A_31 = tpu.memref_slice %arg5[%add3A_29] : memref<163840xi32, #tpu.memory_space<hbm>> -> memref<40xi32, #tpu.memory_space<hbm>>
    tpu.enqueue_dma source(%dma_start3A_31 : memref<40xi32, #tpu.memory_space<hbm>>) target(%arg9 : memref<40xi32, #tpu.memory_space<vmem>>) target_semaphore(%arg19 : memref<!tpu.dma_semaphore, #tpu.memory_space<semaphore_mem>>)
    %dma_start3A_32 = arith.constant 40 : i32
    %dma_start3A_33 = tpu.memref_slice %arg8[%dma_start3A_32] : memref<5120xi32, #tpu.memory_space<vmem>> -> memref<40xi32, #tpu.memory_space<vmem>>
    %dma_start3A_34 = arith.constant 0 : i32
    %dma_start3A_35 = arith.constant 0 : i32
    %dma_start3A_36 = tpu.memref_slice %arg2[%dma_start3A_34, %dma_start3A_35] : memref<10000x128xf32, #tpu.memory_space<hbm>> -> memref<10000x128xf32, #tpu.memory_space<hbm>>
    tpu.enqueue_indirect_dma source(%dma_start3A_36 : memref<10000x128xf32, #tpu.memory_space<hbm>>) target(%arg12 : memref<40x128xf32, #tpu.memory_space<vmem>>) offsets(%dma_start3A_33 : memref<40xi32, #tpu.memory_space<vmem>>) semaphore(%arg16 : memref<!tpu.dma_semaphore, #tpu.memory_space<semaphore_mem>>)
    %add3A_37 = arith.constant 1 : i32
    %add3A_38 = arith.addi %mul3A_2, %add3A_37 : i32
    %mul3A_39 = arith.constant 40 : i32
    %mul3A_40 = arith.muli %add3A_38, %mul3A_39 : i32
    %dma_start3A_41 = arith.constant 0 : i32
    %dma_start3A_42 = tpu.memref_slice %arg3[%mul3A_40, %dma_start3A_41] : memref<163840x128xf32, #tpu.memory_space<hbm>> -> memref<40x128xf32, #tpu.memory_space<hbm>>
    %dma_start3A_43 = arith.constant 0 : i32
    %dma_start3A_44 = tpu.memref_slice %arg3[%mul3A_40, %dma_start3A_43] : memref<163840x128xf32, #tpu.memory_space<hbm>> -> memref<40x128xf32, #tpu.memory_space<hbm>>
    tpu.enqueue_dma source(%dma_start3A_44 : memref<40x128xf32, #tpu.memory_space<hbm>>) target(%arg14 : memref<40x128xf32, #tpu.memory_space<vmem>>) target_semaphore(%arg18 : memref<!tpu.dma_semaphore, #tpu.memory_space<semaphore_mem>>)
    %mul3A_45 = arith.constant 5120 : i32
    %mul3A_46 = arith.muli %add3A, %mul3A_45 : i32
    %add3A_47 = arith.constant 40 : i32
    %add3A_48 = arith.addi %mul3A_46, %add3A_47 : i32
    %dma_start3A_49 = tpu.memref_slice %arg5[%add3A_48] : memref<163840xi32, #tpu.memory_space<hbm>> -> memref<40xi32, #tpu.memory_space<hbm>>
    %dma_start3A_50 = tpu.memref_slice %arg5[%add3A_48] : memref<163840xi32, #tpu.memory_space<hbm>> -> memref<40xi32, #tpu.memory_space<hbm>>
    tpu.enqueue_dma source(%dma_start3A_50 : memref<40xi32, #tpu.memory_space<hbm>>) target(%arg10 : memref<40xi32, #tpu.memory_space<vmem>>) target_semaphore(%arg20 : memref<!tpu.dma_semaphore, #tpu.memory_space<semaphore_mem>>)
    %scan3A_51 = arith.constant 0 : i32
    %scan3A_52 = arith.constant 64 : i32
    %scan3A_53 = arith.addi %scan3A_51, %scan3A_52 : i32
    %scan3A_54 = arith.constant 1 : i32
    scf.for %scan3A_67 = %scan3A_51 to %scan3A_53 step %scan3A_54  : i32 {
      %mul3A_68 = arith.constant 2 : i32
      %mul3A_69 = arith.muli %scan3A_67, %mul3A_68 : i32
      %add3A_70 = arith.constant 0 : i32
      %add3A_71 = arith.addi %add3A_70, %mul3A_69 : i32
      %add3A_72 = arith.constant 0 : i32
      %add3A_73 = arith.addi %add3A_71, %add3A_72 : i32
      %mul3A_74 = arith.constant 40 : i32
      %mul3A_75 = arith.muli %add3A_73, %mul3A_74 : i32
      %dma_wait3A_76 = tpu.memref_slice %arg8[%mul3A_75] : memref<5120xi32, #tpu.memory_space<vmem>> -> memref<40xi32, #tpu.memory_space<vmem>>
      %dma_wait3A_77 = arith.constant 0 : i32
      %dma_wait3A_78 = arith.constant 0 : i32
      %dma_wait3A_79 = tpu.memref_slice %arg2[%dma_wait3A_77, %dma_wait3A_78] : memref<10000x128xf32, #tpu.memory_space<hbm>> -> memref<10000x128xf32, #tpu.memory_space<hbm>>
      tpu.wait_indirect_dma semaphore(%arg15 : memref<!tpu.dma_semaphore, #tpu.memory_space<semaphore_mem>>) src(%dma_wait3A_79 : memref<10000x128xf32, #tpu.memory_space<hbm>>) dst(%arg11 : memref<40x128xf32, #tpu.memory_space<vmem>>)
      %add3A_80 = arith.addi %mul3A_2, %add3A_73 : i32
      %mul3A_81 = arith.constant 40 : i32
      %mul3A_82 = arith.muli %add3A_80, %mul3A_81 : i32
      %dma_wait3A_83 = arith.constant 0 : i32
      %dma_wait3A_84 = tpu.memref_slice %arg3[%mul3A_82, %dma_wait3A_83] : memref<163840x128xf32, #tpu.memory_space<hbm>> -> memref<40x128xf32, #tpu.memory_space<hbm>>
      %dma_wait3A_85 = arith.constant 0 : i32
      %dma_wait3A_86 = tpu.memref_slice %arg3[%mul3A_82, %dma_wait3A_85] : memref<163840x128xf32, #tpu.memory_space<hbm>> -> memref<40x128xf32, #tpu.memory_space<hbm>>
      tpu.wait_dma2 semaphore(%arg17 : memref<!tpu.dma_semaphore, #tpu.memory_space<semaphore_mem>>) src(%dma_wait3A_86 : memref<40x128xf32, #tpu.memory_space<hbm>>) dst(%arg13 : memref<40x128xf32, #tpu.memory_space<vmem>>)
      %mul3A_87 = arith.constant 5120 : i32
      %mul3A_88 = arith.muli %add3A, %mul3A_87 : i32
      %mul3A_89 = arith.constant 40 : i32
      %mul3A_90 = arith.muli %add3A_73, %mul3A_89 : i32
      %add3A_91 = arith.addi %mul3A_88, %mul3A_90 : i32
      %dma_wait3A_92 = tpu.memref_slice %arg5[%add3A_91] : memref<163840xi32, #tpu.memory_space<hbm>> -> memref<40xi32, #tpu.memory_space<hbm>>
      %dma_wait3A_93 = tpu.memref_slice %arg5[%add3A_91] : memref<163840xi32, #tpu.memory_space<hbm>> -> memref<40xi32, #tpu.memory_space<hbm>>
      tpu.wait_dma2 semaphore(%arg19 : memref<!tpu.dma_semaphore, #tpu.memory_space<semaphore_mem>>) src(%dma_wait3A_93 : memref<40xi32, #tpu.memory_space<hbm>>) dst(%arg9 : memref<40xi32, #tpu.memory_space<vmem>>)
      %scan3A_94 = arith.constant 0 : i32
      %scan3A_95 = arith.constant 40 : i32
      %scan3A_96 = arith.addi %scan3A_94, %scan3A_95 : i32
      %scan3A_97 = arith.constant 1 : i32
      scf.for %scan3A_147 = %scan3A_94 to %scan3A_96 step %scan3A_97  : i32 {
        %mul3A_148 = arith.constant 1 : i32
        %mul3A_149 = arith.muli %scan3A_147, %mul3A_148 : i32
        %add3A_150 = arith.constant 0 : i32
        %add3A_151 = arith.addi %add3A_150, %mul3A_149 : i32
        %get3A = arith.index_cast %add3A_151 : i32 to index
        %get3A_152 = arith.constant 0 : index
        %get3A_153 = tpu.vector_load %arg11[%get3A, %get3A_152] {strides = array<i32>} : memref<40x128xf32, #tpu.memory_space<vmem>>, vector<1x16xf32>,
        %get3A_154 = vector.shape_cast %get3A_153 : vector<1x16xf32> to vector<16xf32>
        %get3A_155 = arith.index_cast %add3A_151 : i32 to index
        %get3A_156 = arith.constant 0 : index
        %get3A_157 = tpu.vector_load %arg13[%get3A_155, %get3A_156] {strides = array<i32>} : memref<40x128xf32, #tpu.memory_space<vmem>>, vector<1x16xf32>,
        %get3A_158 = vector.shape_cast %get3A_157 : vector<1x16xf32> to vector<16xf32>
        %mul3A_159 = arith.mulf %get3A_154, %get3A_158 : vector<16xf32>
        %swap3A = arith.index_cast %add3A_151 : i32 to index
        %swap3A_160 = arith.constant 0 : index
        %swap3A_161 = tpu.vector_load %arg11[%swap3A, %swap3A_160] {strides = array<i32>} : memref<40x128xf32, #tpu.memory_space<vmem>>, vector<1x16xf32>,
        %swap3A_162 = vector.shape_cast %swap3A_161 : vector<1x16xf32> to vector<16xf32>
        %swap3A_163 = vector.shape_cast %mul3A_159 : vector<16xf32> to vector<1x16xf32>
        tpu.vector_store %arg11[%swap3A, %swap3A_160], %swap3A_163 {strides = array<i32>} : memref<40x128xf32, #tpu.memory_space<vmem>>, vector<1x16xf32>,
        %get3A_164 = arith.index_cast %add3A_151 : i32 to index
        %get3A_165 = arith.constant 16 : index
        %get3A_166 = tpu.vector_load %arg11[%get3A_164, %get3A_165] {strides = array<i32>} : memref<40x128xf32, #tpu.memory_space<vmem>>, vector<1x16xf32>,
        %get3A_167 = vector.shape_cast %get3A_166 : vector<1x16xf32> to vector<16xf32>
        %get3A_168 = arith.index_cast %add3A_151 : i32 to index
        %get3A_169 = arith.constant 16 : index
        %get3A_170 = tpu.vector_load %arg13[%get3A_168, %get3A_169] {strides = array<i32>} : memref<40x128xf32, #tpu.memory_space<vmem>>, vector<1x16xf32>,
        %get3A_171 = vector.shape_cast %get3A_170 : vector<1x16xf32> to vector<16xf32>
        %mul3A_172 = arith.mulf %get3A_167, %get3A_171 : vector<16xf32>
        %swap3A_173 = arith.index_cast %add3A_151 : i32 to index
        %swap3A_174 = arith.constant 16 : index
        %swap3A_175 = tpu.vector_load %arg11[%swap3A_173, %swap3A_174] {strides = array<i32>} : memref<40x128xf32, #tpu.memory_space<vmem>>, vector<1x16xf32>,
        %swap3A_176 = vector.shape_cast %swap3A_175 : vector<1x16xf32> to vector<16xf32>
        %swap3A_177 = vector.shape_cast %mul3A_172 : vector<16xf32> to vector<1x16xf32>
        tpu.vector_store %arg11[%swap3A_173, %swap3A_174], %swap3A_177 {strides = array<i32>} : memref<40x128xf32, #tpu.memory_space<vmem>>, vector<1x16xf32>,
        %get3A_178 = arith.index_cast %add3A_151 : i32 to index
        %get3A_179 = arith.constant 32 : index
        %get3A_180 = tpu.vector_load %arg11[%get3A_178, %get3A_179] {strides = array<i32>} : memref<40x128xf32, #tpu.memory_space<vmem>>, vector<1x16xf32>,
        %get3A_181 = vector.shape_cast %get3A_180 : vector<1x16xf32> to vector<16xf32>
        %get3A_182 = arith.index_cast %add3A_151 : i32 to index
        %get3A_183 = arith.constant 32 : index
        %get3A_184 = tpu.vector_load %arg13[%get3A_182, %get3A_183] {strides = array<i32>} : memref<40x128xf32, #tpu.memory_space<vmem>>, vector<1x16xf32>,
        %get3A_185 = vector.shape_cast %get3A_184 : vector<1x16xf32> to vector<16xf32>
        %mul3A_186 = arith.mulf %get3A_181, %get3A_185 : vector<16xf32>
        %swap3A_187 = arith.index_cast %add3A_151 : i32 to index
        %swap3A_188 = arith.constant 32 : index
        %swap3A_189 = tpu.vector_load %arg11[%swap3A_187, %swap3A_188] {strides = array<i32>} : memref<40x128xf32, #tpu.memory_space<vmem>>, vector<1x16xf32>,
        %swap3A_190 = vector.shape_cast %swap3A_189 : vector<1x16xf32> to vector<16xf32>
        %swap3A_191 = vector.shape_cast %mul3A_186 : vector<16xf32> to vector<1x16xf32>
        tpu.vector_store %arg11[%swap3A_187, %swap3A_188], %swap3A_191 {strides = array<i32>} : memref<40x128xf32, #tpu.memory_space<vmem>>, vector<1x16xf32>,
        %get3A_192 = arith.index_cast %add3A_151 : i32 to index
        %get3A_193 = arith.constant 48 : index
        %get3A_194 = tpu.vector_load %arg11[%get3A_192, %get3A_193] {strides = array<i32>} : memref<40x128xf32, #tpu.memory_space<vmem>>, vector<1x16xf32>,
        %get3A_195 = vector.shape_cast %get3A_194 : vector<1x16xf32> to vector<16xf32>
        %get3A_196 = arith.index_cast %add3A_151 : i32 to index
        %get3A_197 = arith.constant 48 : index
        %get3A_198 = tpu.vector_load %arg13[%get3A_196, %get3A_197] {strides = array<i32>} : memref<40x128xf32, #tpu.memory_space<vmem>>, vector<1x16xf32>,
        %get3A_199 = vector.shape_cast %get3A_198 : vector<1x16xf32> to vector<16xf32>
        %mul3A_200 = arith.mulf %get3A_195, %get3A_199 : vector<16xf32>
        %swap3A_201 = arith.index_cast %add3A_151 : i32 to index
        %swap3A_202 = arith.constant 48 : index
        %swap3A_203 = tpu.vector_load %arg11[%swap3A_201, %swap3A_202] {strides = array<i32>} : memref<40x128xf32, #tpu.memory_space<vmem>>, vector<1x16xf32>,
        %swap3A_204 = vector.shape_cast %swap3A_203 : vector<1x16xf32> to vector<16xf32>
        %swap3A_205 = vector.shape_cast %mul3A_200 : vector<16xf32> to vector<1x16xf32>
        tpu.vector_store %arg11[%swap3A_201, %swap3A_202], %swap3A_205 {strides = array<i32>} : memref<40x128xf32, #tpu.memory_space<vmem>>, vector<1x16xf32>,
        %get3A_206 = arith.index_cast %add3A_151 : i32 to index
        %get3A_207 = arith.constant 64 : index
        %get3A_208 = tpu.vector_load %arg11[%get3A_206, %get3A_207] {strides = array<i32>} : memref<40x128xf32, #tpu.memory_space<vmem>>, vector<1x16xf32>,
        %get3A_209 = vector.shape_cast %get3A_208 : vector<1x16xf32> to vector<16xf32>
        %get3A_210 = arith.index_cast %add3A_151 : i32 to index
        %get3A_211 = arith.constant 64 : index
        %get3A_212 = tpu.vector_load %arg13[%get3A_210, %get3A_211] {strides = array<i32>} : memref<40x128xf32, #tpu.memory_space<vmem>>, vector<1x16xf32>,
        %get3A_213 = vector.shape_cast %get3A_212 : vector<1x16xf32> to vector<16xf32>
        %mul3A_214 = arith.mulf %get3A_209, %get3A_213 : vector<16xf32>
        %swap3A_215 = arith.index_cast %add3A_151 : i32 to index
        %swap3A_216 = arith.constant 64 : index
        %swap3A_217 = tpu.vector_load %arg11[%swap3A_215, %swap3A_216] {strides = array<i32>} : memref<40x128xf32, #tpu.memory_space<vmem>>, vector<1x16xf32>,
        %swap3A_218 = vector.shape_cast %swap3A_217 : vector<1x16xf32> to vector<16xf32>
        %swap3A_219 = vector.shape_cast %mul3A_214 : vector<16xf32> to vector<1x16xf32>
        tpu.vector_store %arg11[%swap3A_215, %swap3A_216], %swap3A_219 {strides = array<i32>} : memref<40x128xf32, #tpu.memory_space<vmem>>, vector<1x16xf32>,
        %get3A_220 = arith.index_cast %add3A_151 : i32 to index
        %get3A_221 = arith.constant 80 : index
        %get3A_222 = tpu.vector_load %arg11[%get3A_220, %get3A_221] {strides = array<i32>} : memref<40x128xf32, #tpu.memory_space<vmem>>, vector<1x16xf32>,
        %get3A_223 = vector.shape_cast %get3A_222 : vector<1x16xf32> to vector<16xf32>
        %get3A_224 = arith.index_cast %add3A_151 : i32 to index
        %get3A_225 = arith.constant 80 : index
        %get3A_226 = tpu.vector_load %arg13[%get3A_224, %get3A_225] {strides = array<i32>} : memref<40x128xf32, #tpu.memory_space<vmem>>, vector<1x16xf32>,
        %get3A_227 = vector.shape_cast %get3A_226 : vector<1x16xf32> to vector<16xf32>
        %mul3A_228 = arith.mulf %get3A_223, %get3A_227 : vector<16xf32>
        %swap3A_229 = arith.index_cast %add3A_151 : i32 to index
        %swap3A_230 = arith.constant 80 : index
        %swap3A_231 = tpu.vector_load %arg11[%swap3A_229, %swap3A_230] {strides = array<i32>} : memref<40x128xf32, #tpu.memory_space<vmem>>, vector<1x16xf32>,
        %swap3A_232 = vector.shape_cast %swap3A_231 : vector<1x16xf32> to vector<16xf32>
        %swap3A_233 = vector.shape_cast %mul3A_228 : vector<16xf32> to vector<1x16xf32>
        tpu.vector_store %arg11[%swap3A_229, %swap3A_230], %swap3A_233 {strides = array<i32>} : memref<40x128xf32, #tpu.memory_space<vmem>>, vector<1x16xf32>,
        %get3A_234 = arith.index_cast %add3A_151 : i32 to index
        %get3A_235 = arith.constant 96 : index
        %get3A_236 = tpu.vector_load %arg11[%get3A_234, %get3A_235] {strides = array<i32>} : memref<40x128xf32, #tpu.memory_space<vmem>>, vector<1x16xf32>,
        %get3A_237 = vector.shape_cast %get3A_236 : vector<1x16xf32> to vector<16xf32>
        %get3A_238 = arith.index_cast %add3A_151 : i32 to index
        %get3A_239 = arith.constant 96 : index
        %get3A_240 = tpu.vector_load %arg13[%get3A_238, %get3A_239] {strides = array<i32>} : memref<40x128xf32, #tpu.memory_space<vmem>>, vector<1x16xf32>,
        %get3A_241 = vector.shape_cast %get3A_240 : vector<1x16xf32> to vector<16xf32>
        %mul3A_242 = arith.mulf %get3A_237, %get3A_241 : vector<16xf32>
        %swap3A_243 = arith.index_cast %add3A_151 : i32 to index
        %swap3A_244 = arith.constant 96 : index
        %swap3A_245 = tpu.vector_load %arg11[%swap3A_243, %swap3A_244] {strides = array<i32>} : memref<40x128xf32, #tpu.memory_space<vmem>>, vector<1x16xf32>,
        %swap3A_246 = vector.shape_cast %swap3A_245 : vector<1x16xf32> to vector<16xf32>
        %swap3A_247 = vector.shape_cast %mul3A_242 : vector<16xf32> to vector<1x16xf32>
        tpu.vector_store %arg11[%swap3A_243, %swap3A_244], %swap3A_247 {strides = array<i32>} : memref<40x128xf32, #tpu.memory_space<vmem>>, vector<1x16xf32>,
      }
      %scan3A_98 = arith.constant 40 : i32
      %dma_start3A_99 = arith.constant 0 : i32
      %dma_start3A_100 = arith.constant 0 : i32
      %dma_start3A_101 = tpu.memref_slice %arg7[%dma_start3A_99, %dma_start3A_100] : memref<10240x128xf32, #tpu.memory_space<vmem_shared>> -> memref<10240x128xf32, #tpu.memory_space<vmem_shared>>
      tpu.enqueue_indirect_dma source(%arg11 : memref<40x128xf32, #tpu.memory_space<vmem>>) target(%dma_start3A_101 : memref<10240x128xf32, #tpu.memory_space<vmem_shared>>) offsets(%arg9 : memref<40xi32, #tpu.memory_space<vmem>>) semaphore(%arg21 : memref<!tpu.dma_semaphore, #tpu.memory_space<semaphore_mem>>) {add = true}
      %add3A_102 = arith.constant 1 : i32
      %add3A_103 = arith.addi %add3A_71, %add3A_102 : i32
      %mul3A_104 = arith.constant 40 : i32
      %mul3A_105 = arith.muli %add3A_103, %mul3A_104 : i32
      %dma_wait3A_106 = tpu.memref_slice %arg8[%mul3A_105] : memref<5120xi32, #tpu.memory_space<vmem>> -> memref<40xi32, #tpu.memory_space<vmem>>
      %dma_wait3A_107 = arith.constant 0 : i32
      %dma_wait3A_108 = arith.constant 0 : i32
      %dma_wait3A_109 = tpu.memref_slice %arg2[%dma_wait3A_107, %dma_wait3A_108] : memref<10000x128xf32, #tpu.memory_space<hbm>> -> memref<10000x128xf32, #tpu.memory_space<hbm>>
      tpu.wait_indirect_dma semaphore(%arg16 : memref<!tpu.dma_semaphore, #tpu.memory_space<semaphore_mem>>) src(%dma_wait3A_109 : memref<10000x128xf32, #tpu.memory_space<hbm>>) dst(%arg12 : memref<40x128xf32, #tpu.memory_space<vmem>>)
      %add3A_110 = arith.addi %mul3A_2, %add3A_103 : i32
      %mul3A_111 = arith.constant 40 : i32
      %mul3A_112 = arith.muli %add3A_110, %mul3A_111 : i32
      %dma_wait3A_113 = arith.constant 0 : i32
      %dma_wait3A_114 = tpu.memref_slice %arg3[%mul3A_112, %dma_wait3A_113] : memref<163840x128xf32, #tpu.memory_space<hbm>> -> memref<40x128xf32, #tpu.memory_space<hbm>>
      %dma_wait3A_115 = arith.constant 0 : i32
      %dma_wait3A_116 = tpu.memref_slice %arg3[%mul3A_112, %dma_wait3A_115] : memref<163840x128xf32, #tpu.memory_space<hbm>> -> memref<40x128xf32, #tpu.memory_space<hbm>>
      tpu.wait_dma2 semaphore(%arg18 : memref<!tpu.dma_semaphore, #tpu.memory_space<semaphore_mem>>) src(%dma_wait3A_116 : memref<40x128xf32, #tpu.memory_space<hbm>>) dst(%arg14 : memref<40x128xf32, #tpu.memory_space<vmem>>)
      %mul3A_117 = arith.constant 5120 : i32
      %mul3A_118 = arith.muli %add3A, %mul3A_117 : i32
      %mul3A_119 = arith.constant 40 : i32
      %mul3A_120 = arith.muli %add3A_103, %mul3A_119 : i32
      %add3A_121 = arith.addi %mul3A_118, %mul3A_120 : i32
      %dma_wait3A_122 = tpu.memref_slice %arg5[%add3A_121] : memref<163840xi32, #tpu.memory_space<hbm>> -> memref<40xi32, #tpu.memory_space<hbm>>
      %dma_wait3A_123 = tpu.memref_slice %arg5[%add3A_121] : memref<163840xi32, #tpu.memory_space<hbm>> -> memref<40xi32, #tpu.memory_space<hbm>>
      tpu.wait_dma2 semaphore(%arg20 : memref<!tpu.dma_semaphore, #tpu.memory_space<semaphore_mem>>) src(%dma_wait3A_123 : memref<40xi32, #tpu.memory_space<hbm>>) dst(%arg10 : memref<40xi32, #tpu.memory_space<vmem>>)
      %scan3A_124 = arith.constant 0 : i32
      %scan3A_125 = arith.constant 40 : i32
      %scan3A_126 = arith.addi %scan3A_124, %scan3A_125 : i32
      %scan3A_127 = arith.constant 1 : i32
      scf.for %scan3A_147 = %scan3A_124 to %scan3A_126 step %scan3A_127  : i32 {
        %mul3A_148 = arith.constant 1 : i32
        %mul3A_149 = arith.muli %scan3A_147, %mul3A_148 : i32
        %add3A_150 = arith.constant 0 : i32
        %add3A_151 = arith.addi %add3A_150, %mul3A_149 : i32
        %get3A = arith.index_cast %add3A_151 : i32 to index
        %get3A_152 = arith.constant 0 : index
        %get3A_153 = tpu.vector_load %arg12[%get3A, %get3A_152] {strides = array<i32>} : memref<40x128xf32, #tpu.memory_space<vmem>>, vector<1x16xf32>,
        %get3A_154 = vector.shape_cast %get3A_153 : vector<1x16xf32> to vector<16xf32>
        %get3A_155 = arith.index_cast %add3A_151 : i32 to index
        %get3A_156 = arith.constant 0 : index
        %get3A_157 = tpu.vector_load %arg14[%get3A_155, %get3A_156] {strides = array<i32>} : memref<40x128xf32, #tpu.memory_space<vmem>>, vector<1x16xf32>,
        %get3A_158 = vector.shape_cast %get3A_157 : vector<1x16xf32> to vector<16xf32>
        %mul3A_159 = arith.mulf %get3A_154, %get3A_158 : vector<16xf32>
        %swap3A = arith.index_cast %add3A_151 : i32 to index
        %swap3A_160 = arith.constant 0 : index
        %swap3A_161 = tpu.vector_load %arg12[%swap3A, %swap3A_160] {strides = array<i32>} : memref<40x128xf32, #tpu.memory_space<vmem>>, vector<1x16xf32>,
        %swap3A_162 = vector.shape_cast %swap3A_161 : vector<1x16xf32> to vector<16xf32>
        %swap3A_163 = vector.shape_cast %mul3A_159 : vector<16xf32> to vector<1x16xf32>
        tpu.vector_store %arg12[%swap3A, %swap3A_160], %swap3A_163 {strides = array<i32>} : memref<40x128xf32, #tpu.memory_space<vmem>>, vector<1x16xf32>,
        %get3A_164 = arith.index_cast %add3A_151 : i32 to index
        %get3A_165 = arith.constant 16 : index
        %get3A_166 = tpu.vector_load %arg12[%get3A_164, %get3A_165] {strides = array<i32>} : memref<40x128xf32, #tpu.memory_space<vmem>>, vector<1x16xf32>,
        %get3A_167 = vector.shape_cast %get3A_166 : vector<1x16xf32> to vector<16xf32>
        %get3A_168 = arith.index_cast %add3A_151 : i32 to index
        %get3A_169 = arith.constant 16 : index
        %get3A_170 = tpu.vector_load %arg14[%get3A_168, %get3A_169] {strides = array<i32>} : memref<40x128xf32, #tpu.memory_space<vmem>>, vector<1x16xf32>,
        %get3A_171 = vector.shape_cast %get3A_170 : vector<1x16xf32> to vector<16xf32>
        %mul3A_172 = arith.mulf %get3A_167, %get3A_171 : vector<16xf32>
        %swap3A_173 = arith.index_cast %add3A_151 : i32 to index
        %swap3A_174 = arith.constant 16 : index
        %swap3A_175 = tpu.vector_load %arg12[%swap3A_173, %swap3A_174] {strides = array<i32>} : memref<40x128xf32, #tpu.memory_space<vmem>>, vector<1x16xf32>,
        %swap3A_176 = vector.shape_cast %swap3A_175 : vector<1x16xf32> to vector<16xf32>
        %swap3A_177 = vector.shape_cast %mul3A_172 : vector<16xf32> to vector<1x16xf32>
        tpu.vector_store %arg12[%swap3A_173, %swap3A_174], %swap3A_177 {strides = array<i32>} : memref<40x128xf32, #tpu.memory_space<vmem>>, vector<1x16xf32>,
        %get3A_178 = arith.index_cast %add3A_151 : i32 to index
        %get3A_179 = arith.constant 32 : index
        %get3A_180 = tpu.vector_load %arg12[%get3A_178, %get3A_179] {strides = array<i32>} : memref<40x128xf32, #tpu.memory_space<vmem>>, vector<1x16xf32>,
        %get3A_181 = vector.shape_cast %get3A_180 : vector<1x16xf32> to vector<16xf32>
        %get3A_182 = arith.index_cast %add3A_151 : i32 to index
        %get3A_183 = arith.constant 32 : index
        %get3A_184 = tpu.vector_load %arg14[%get3A_182, %get3A_183] {strides = array<i32>} : memref<40x128xf32, #tpu.memory_space<vmem>>, vector<1x16xf32>,
        %get3A_185 = vector.shape_cast %get3A_184 : vector<1x16xf32> to vector<16xf32>
        %mul3A_186 = arith.mulf %get3A_181, %get3A_185 : vector<16xf32>
        %swap3A_187 = arith.index_cast %add3A_151 : i32 to index
        %swap3A_188 = arith.constant 32 : index
        %swap3A_189 = tpu.vector_load %arg12[%swap3A_187, %swap3A_188] {strides = array<i32>} : memref<40x128xf32, #tpu.memory_space<vmem>>, vector<1x16xf32>,
        %swap3A_190 = vector.shape_cast %swap3A_189 : vector<1x16xf32> to vector<16xf32>
        %swap3A_191 = vector.shape_cast %mul3A_186 : vector<16xf32> to vector<1x16xf32>
        tpu.vector_store %arg12[%swap3A_187, %swap3A_188], %swap3A_191 {strides = array<i32>} : memref<40x128xf32, #tpu.memory_space<vmem>>, vector<1x16xf32>,
        %get3A_192 = arith.index_cast %add3A_151 : i32 to index
        %get3A_193 = arith.constant 48 : index
        %get3A_194 = tpu.vector_load %arg12[%get3A_192, %get3A_193] {strides = array<i32>} : memref<40x128xf32, #tpu.memory_space<vmem>>, vector<1x16xf32>,
        %get3A_195 = vector.shape_cast %get3A_194 : vector<1x16xf32> to vector<16xf32>
        %get3A_196 = arith.index_cast %add3A_151 : i32 to index
        %get3A_197 = arith.constant 48 : index
        %get3A_198 = tpu.vector_load %arg14[%get3A_196, %get3A_197] {strides = array<i32>} : memref<40x128xf32, #tpu.memory_space<vmem>>, vector<1x16xf32>,
        %get3A_199 = vector.shape_cast %get3A_198 : vector<1x16xf32> to vector<16xf32>
        %mul3A_200 = arith.mulf %get3A_195, %get3A_199 : vector<16xf32>
        %swap3A_201 = arith.index_cast %add3A_151 : i32 to index
        %swap3A_202 = arith.constant 48 : index
        %swap3A_203 = tpu.vector_load %arg12[%swap3A_201, %swap3A_202] {strides = array<i32>} : memref<40x128xf32, #tpu.memory_space<vmem>>, vector<1x16xf32>,
        %swap3A_204 = vector.shape_cast %swap3A_203 : vector<1x16xf32> to vector<16xf32>
        %swap3A_205 = vector.shape_cast %mul3A_200 : vector<16xf32> to vector<1x16xf32>
        tpu.vector_store %arg12[%swap3A_201, %swap3A_202], %swap3A_205 {strides = array<i32>} : memref<40x128xf32, #tpu.memory_space<vmem>>, vector<1x16xf32>,
        %get3A_206 = arith.index_cast %add3A_151 : i32 to index
        %get3A_207 = arith.constant 64 : index
        %get3A_208 = tpu.vector_load %arg12[%get3A_206, %get3A_207] {strides = array<i32>} : memref<40x128xf32, #tpu.memory_space<vmem>>, vector<1x16xf32>,
        %get3A_209 = vector.shape_cast %get3A_208 : vector<1x16xf32> to vector<16xf32>
        %get3A_210 = arith.index_cast %add3A_151 : i32 to index
        %get3A_211 = arith.constant 64 : index
        %get3A_212 = tpu.vector_load %arg14[%get3A_210, %get3A_211] {strides = array<i32>} : memref<40x128xf32, #tpu.memory_space<vmem>>, vector<1x16xf32>,
        %get3A_213 = vector.shape_cast %get3A_212 : vector<1x16xf32> to vector<16xf32>
        %mul3A_214 = arith.mulf %get3A_209, %get3A_213 : vector<16xf32>
        %swap3A_215 = arith.index_cast %add3A_151 : i32 to index
        %swap3A_216 = arith.constant 64 : index
        %swap3A_217 = tpu.vector_load %arg12[%swap3A_215, %swap3A_216] {strides = array<i32>} : memref<40x128xf32, #tpu.memory_space<vmem>>, vector<1x16xf32>,
        %swap3A_218 = vector.shape_cast %swap3A_217 : vector<1x16xf32> to vector<16xf32>
        %swap3A_219 = vector.shape_cast %mul3A_214 : vector<16xf32> to vector<1x16xf32>
        tpu.vector_store %arg12[%swap3A_215, %swap3A_216], %swap3A_219 {strides = array<i32>} : memref<40x128xf32, #tpu.memory_space<vmem>>, vector<1x16xf32>,
        %get3A_220 = arith.index_cast %add3A_151 : i32 to index
        %get3A_221 = arith.constant 80 : index
        %get3A_222 = tpu.vector_load %arg12[%get3A_220, %get3A_221] {strides = array<i32>} : memref<40x128xf32, #tpu.memory_space<vmem>>, vector<1x16xf32>,
        %get3A_223 = vector.shape_cast %get3A_222 : vector<1x16xf32> to vector<16xf32>
        %get3A_224 = arith.index_cast %add3A_151 : i32 to index
        %get3A_225 = arith.constant 80 : index
        %get3A_226 = tpu.vector_load %arg14[%get3A_224, %get3A_225] {strides = array<i32>} : memref<40x128xf32, #tpu.memory_space<vmem>>, vector<1x16xf32>,
        %get3A_227 = vector.shape_cast %get3A_226 : vector<1x16xf32> to vector<16xf32>
        %mul3A_228 = arith.mulf %get3A_223, %get3A_227 : vector<16xf32>
        %swap3A_229 = arith.index_cast %add3A_151 : i32 to index
        %swap3A_230 = arith.constant 80 : index
        %swap3A_231 = tpu.vector_load %arg12[%swap3A_229, %swap3A_230] {strides = array<i32>} : memref<40x128xf32, #tpu.memory_space<vmem>>, vector<1x16xf32>,
        %swap3A_232 = vector.shape_cast %swap3A_231 : vector<1x16xf32> to vector<16xf32>
        %swap3A_233 = vector.shape_cast %mul3A_228 : vector<16xf32> to vector<1x16xf32>
        tpu.vector_store %arg12[%swap3A_229, %swap3A_230], %swap3A_233 {strides = array<i32>} : memref<40x128xf32, #tpu.memory_space<vmem>>, vector<1x16xf32>,
        %get3A_234 = arith.index_cast %add3A_151 : i32 to index
        %get3A_235 = arith.constant 96 : index
        %get3A_236 = tpu.vector_load %arg12[%get3A_234, %get3A_235] {strides = array<i32>} : memref<40x128xf32, #tpu.memory_space<vmem>>, vector<1x16xf32>,
        %get3A_237 = vector.shape_cast %get3A_236 : vector<1x16xf32> to vector<16xf32>
        %get3A_238 = arith.index_cast %add3A_151 : i32 to index
        %get3A_239 = arith.constant 96 : index
        %get3A_240 = tpu.vector_load %arg14[%get3A_238, %get3A_239] {strides = array<i32>} : memref<40x128xf32, #tpu.memory_space<vmem>>, vector<1x16xf32>,
        %get3A_241 = vector.shape_cast %get3A_240 : vector<1x16xf32> to vector<16xf32>
        %mul3A_242 = arith.mulf %get3A_237, %get3A_241 : vector<16xf32>
        %swap3A_243 = arith.index_cast %add3A_151 : i32 to index
        %swap3A_244 = arith.constant 96 : index
        %swap3A_245 = tpu.vector_load %arg12[%swap3A_243, %swap3A_244] {strides = array<i32>} : memref<40x128xf32, #tpu.memory_space<vmem>>, vector<1x16xf32>,
        %swap3A_246 = vector.shape_cast %swap3A_245 : vector<1x16xf32> to vector<16xf32>
        %swap3A_247 = vector.shape_cast %mul3A_242 : vector<16xf32> to vector<1x16xf32>
        tpu.vector_store %arg12[%swap3A_243, %swap3A_244], %swap3A_247 {strides = array<i32>} : memref<40x128xf32, #tpu.memory_space<vmem>>, vector<1x16xf32>,
      }
      %scan3A_128 = arith.constant 40 : i32
      %dma_start3A_129 = arith.constant 0 : i32
      %dma_start3A_130 = arith.constant 0 : i32
      %dma_start3A_131 = tpu.memref_slice %arg7[%dma_start3A_129, %dma_start3A_130] : memref<10240x128xf32, #tpu.memory_space<vmem_shared>> -> memref<10240x128xf32, #tpu.memory_space<vmem_shared>>
      tpu.enqueue_indirect_dma source(%arg12 : memref<40x128xf32, #tpu.memory_space<vmem>>) target(%dma_start3A_131 : memref<10240x128xf32, #tpu.memory_space<vmem_shared>>) offsets(%arg10 : memref<40xi32, #tpu.memory_space<vmem>>) semaphore(%arg22 : memref<!tpu.dma_semaphore, #tpu.memory_space<semaphore_mem>>) {add = true}
      %add3A_132 = arith.constant 0 : i32
      %add3A_133 = arith.addi %add3A_71, %add3A_132 : i32
      %add3A_134 = arith.constant 2 : i32
      %add3A_135 = arith.addi %add3A_133, %add3A_134 : i32
      %lt3A = arith.constant 128 : i32
      %lt3A_136 = arith.cmpi slt, %add3A_135, %lt3A : i32
      %convert_element_type3A = arith.extui %lt3A_136 : i1 to i32
      %cond3A = arith.constant 0 : i32
      %cond3A_137 = arith.cmpi ne, %convert_element_type3A, %cond3A : i32
      scf.if %cond3A_137 {
        %dma_wait3A_147 = arith.constant 0 : i32
        %dma_wait3A_148 = arith.constant 0 : i32
        %dma_wait3A_149 = tpu.memref_slice %arg7[%dma_wait3A_147, %dma_wait3A_148] : memref<10240x128xf32, #tpu.memory_space<vmem_shared>> -> memref<10240x128xf32, #tpu.memory_space<vmem_shared>>
        tpu.wait_indirect_dma semaphore(%arg21 : memref<!tpu.dma_semaphore, #tpu.memory_space<semaphore_mem>>) src(%arg11 : memref<40x128xf32, #tpu.memory_space<vmem>>) dst(%dma_wait3A_149 : memref<10240x128xf32, #tpu.memory_space<vmem_shared>>)
        %add3A_150 = arith.constant 2 : i32
        %add3A_151 = arith.addi %add3A_133, %add3A_150 : i32
        %mul3A_152 = arith.constant 40 : i32
        %mul3A_153 = arith.muli %add3A_151, %mul3A_152 : i32
        %dma_start3A_154 = tpu.memref_slice %arg8[%mul3A_153] : memref<5120xi32, #tpu.memory_space<vmem>> -> memref<40xi32, #tpu.memory_space<vmem>>
        %dma_start3A_155 = arith.constant 0 : i32
        %dma_start3A_156 = arith.constant 0 : i32
        %dma_start3A_157 = tpu.memref_slice %arg2[%dma_start3A_155, %dma_start3A_156] : memref<10000x128xf32, #tpu.memory_space<hbm>> -> memref<10000x128xf32, #tpu.memory_space<hbm>>
        tpu.enqueue_indirect_dma source(%dma_start3A_157 : memref<10000x128xf32, #tpu.memory_space<hbm>>) target(%arg11 : memref<40x128xf32, #tpu.memory_space<vmem>>) offsets(%dma_start3A_154 : memref<40xi32, #tpu.memory_space<vmem>>) semaphore(%arg15 : memref<!tpu.dma_semaphore, #tpu.memory_space<semaphore_mem>>)
        %add3A_158 = arith.addi %mul3A_2, %add3A_151 : i32
        %mul3A_159 = arith.constant 40 : i32
        %mul3A_160 = arith.muli %add3A_158, %mul3A_159 : i32
        %dma_start3A_161 = arith.constant 0 : i32
        %dma_start3A_162 = tpu.memref_slice %arg3[%mul3A_160, %dma_start3A_161] : memref<163840x128xf32, #tpu.memory_space<hbm>> -> memref<40x128xf32, #tpu.memory_space<hbm>>
        %dma_start3A_163 = arith.constant 0 : i32
        %dma_start3A_164 = tpu.memref_slice %arg3[%mul3A_160, %dma_start3A_163] : memref<163840x128xf32, #tpu.memory_space<hbm>> -> memref<40x128xf32, #tpu.memory_space<hbm>>
        tpu.enqueue_dma source(%dma_start3A_164 : memref<40x128xf32, #tpu.memory_space<hbm>>) target(%arg13 : memref<40x128xf32, #tpu.memory_space<vmem>>) target_semaphore(%arg17 : memref<!tpu.dma_semaphore, #tpu.memory_space<semaphore_mem>>)
        %mul3A_165 = arith.constant 5120 : i32
        %mul3A_166 = arith.muli %add3A, %mul3A_165 : i32
        %mul3A_167 = arith.constant 40 : i32
        %mul3A_168 = arith.muli %add3A_151, %mul3A_167 : i32
        %add3A_169 = arith.addi %mul3A_166, %mul3A_168 : i32
        %dma_start3A_170 = tpu.memref_slice %arg5[%add3A_169] : memref<163840xi32, #tpu.memory_space<hbm>> -> memref<40xi32, #tpu.memory_space<hbm>>
        %dma_start3A_171 = tpu.memref_slice %arg5[%add3A_169] : memref<163840xi32, #tpu.memory_space<hbm>> -> memref<40xi32, #tpu.memory_space<hbm>>
        tpu.enqueue_dma source(%dma_start3A_171 : memref<40xi32, #tpu.memory_space<hbm>>) target(%arg9 : memref<40xi32, #tpu.memory_space<vmem>>) target_semaphore(%arg19 : memref<!tpu.dma_semaphore, #tpu.memory_space<semaphore_mem>>)
      } else {
      }
      %add3A_138 = arith.constant 1 : i32
      %add3A_139 = arith.addi %add3A_71, %add3A_138 : i32
      %add3A_140 = arith.constant 2 : i32
      %add3A_141 = arith.addi %add3A_139, %add3A_140 : i32
      %lt3A_142 = arith.constant 128 : i32
      %lt3A_143 = arith.cmpi slt, %add3A_141, %lt3A_142 : i32
      %convert_element_type3A_144 = arith.extui %lt3A_143 : i1 to i32
      %cond3A_145 = arith.constant 0 : i32
      %cond3A_146 = arith.cmpi ne, %convert_element_type3A_144, %cond3A_145 : i32
      scf.if %cond3A_146 {
        %dma_wait3A_147 = arith.constant 0 : i32
        %dma_wait3A_148 = arith.constant 0 : i32
        %dma_wait3A_149 = tpu.memref_slice %arg7[%dma_wait3A_147, %dma_wait3A_148] : memref<10240x128xf32, #tpu.memory_space<vmem_shared>> -> memref<10240x128xf32, #tpu.memory_space<vmem_shared>>
        tpu.wait_indirect_dma semaphore(%arg22 : memref<!tpu.dma_semaphore, #tpu.memory_space<semaphore_mem>>) src(%arg12 : memref<40x128xf32, #tpu.memory_space<vmem>>) dst(%dma_wait3A_149 : memref<10240x128xf32, #tpu.memory_space<vmem_shared>>)
        %add3A_150 = arith.constant 2 : i32
        %add3A_151 = arith.addi %add3A_139, %add3A_150 : i32
        %mul3A_152 = arith.constant 40 : i32
        %mul3A_153 = arith.muli %add3A_151, %mul3A_152 : i32
        %dma_start3A_154 = tpu.memref_slice %arg8[%mul3A_153] : memref<5120xi32, #tpu.memory_space<vmem>> -> memref<40xi32, #tpu.memory_space<vmem>>
        %dma_start3A_155 = arith.constant 0 : i32
        %dma_start3A_156 = arith.constant 0 : i32
        %dma_start3A_157 = tpu.memref_slice %arg2[%dma_start3A_155, %dma_start3A_156] : memref<10000x128xf32, #tpu.memory_space<hbm>> -> memref<10000x128xf32, #tpu.memory_space<hbm>>
        tpu.enqueue_indirect_dma source(%dma_start3A_157 : memref<10000x128xf32, #tpu.memory_space<hbm>>) target(%arg12 : memref<40x128xf32, #tpu.memory_space<vmem>>) offsets(%dma_start3A_154 : memref<40xi32, #tpu.memory_space<vmem>>) semaphore(%arg16 : memref<!tpu.dma_semaphore, #tpu.memory_space<semaphore_mem>>)
        %add3A_158 = arith.addi %mul3A_2, %add3A_151 : i32
        %mul3A_159 = arith.constant 40 : i32
        %mul3A_160 = arith.muli %add3A_158, %mul3A_159 : i32
        %dma_start3A_161 = arith.constant 0 : i32
        %dma_start3A_162 = tpu.memref_slice %arg3[%mul3A_160, %dma_start3A_161] : memref<163840x128xf32, #tpu.memory_space<hbm>> -> memref<40x128xf32, #tpu.memory_space<hbm>>
        %dma_start3A_163 = arith.constant 0 : i32
        %dma_start3A_164 = tpu.memref_slice %arg3[%mul3A_160, %dma_start3A_163] : memref<163840x128xf32, #tpu.memory_space<hbm>> -> memref<40x128xf32, #tpu.memory_space<hbm>>
        tpu.enqueue_dma source(%dma_start3A_164 : memref<40x128xf32, #tpu.memory_space<hbm>>) target(%arg14 : memref<40x128xf32, #tpu.memory_space<vmem>>) target_semaphore(%arg18 : memref<!tpu.dma_semaphore, #tpu.memory_space<semaphore_mem>>)
        %mul3A_165 = arith.constant 5120 : i32
        %mul3A_166 = arith.muli %add3A, %mul3A_165 : i32
        %mul3A_167 = arith.constant 40 : i32
        %mul3A_168 = arith.muli %add3A_151, %mul3A_167 : i32
        %add3A_169 = arith.addi %mul3A_166, %mul3A_168 : i32
        %dma_start3A_170 = tpu.memref_slice %arg5[%add3A_169] : memref<163840xi32, #tpu.memory_space<hbm>> -> memref<40xi32, #tpu.memory_space<hbm>>
        %dma_start3A_171 = tpu.memref_slice %arg5[%add3A_169] : memref<163840xi32, #tpu.memory_space<hbm>> -> memref<40xi32, #tpu.memory_space<hbm>>
        tpu.enqueue_dma source(%dma_start3A_171 : memref<40xi32, #tpu.memory_space<hbm>>) target(%arg10 : memref<40xi32, #tpu.memory_space<vmem>>) target_semaphore(%arg20 : memref<!tpu.dma_semaphore, #tpu.memory_space<semaphore_mem>>)
      } else {
      }
    }
    %scan3A_55 = arith.constant 64 : i32
    %dma_wait3A = arith.constant 0 : i32
    %dma_wait3A_56 = arith.constant 0 : i32
    %dma_wait3A_57 = tpu.memref_slice %arg7[%dma_wait3A, %dma_wait3A_56] : memref<10240x128xf32, #tpu.memory_space<vmem_shared>> -> memref<10240x128xf32, #tpu.memory_space<vmem_shared>>
    tpu.wait_indirect_dma semaphore(%arg21 : memref<!tpu.dma_semaphore, #tpu.memory_space<semaphore_mem>>) src(%arg11 : memref<40x128xf32, #tpu.memory_space<vmem>>) dst(%dma_wait3A_57 : memref<10240x128xf32, #tpu.memory_space<vmem_shared>>)
    %dma_wait3A_58 = arith.constant 0 : i32
    %dma_wait3A_59 = arith.constant 0 : i32
    %dma_wait3A_60 = tpu.memref_slice %arg7[%dma_wait3A_58, %dma_wait3A_59] : memref<10240x128xf32, #tpu.memory_space<vmem_shared>> -> memref<10240x128xf32, #tpu.memory_space<vmem_shared>>
    tpu.wait_indirect_dma semaphore(%arg22 : memref<!tpu.dma_semaphore, #tpu.memory_space<semaphore_mem>>) src(%arg12 : memref<40x128xf32, #tpu.memory_space<vmem>>) dst(%dma_wait3A_60 : memref<10240x128xf32, #tpu.memory_space<vmem_shared>>)
    %barrier3A_61 = arith.constant 0 : index
    tpu.barrier barrier_id(%barrier3A_61)
    %scan3A_62 = arith.constant 0 : i32
    %scan3A_63 = arith.constant 16 : i32
    %scan3A_64 = arith.addi %scan3A_62, %scan3A_63 : i32
    %scan3A_65 = arith.constant 1 : i32
    scf.for %scan3A_67 = %scan3A_62 to %scan3A_64 step %scan3A_65  : i32 {
      %mul3A_68 = arith.constant 40 : i32
      %mul3A_69 = arith.muli %scan3A_67, %mul3A_68 : i32
      %add3A_70 = arith.constant 0 : i32
      %add3A_71 = arith.addi %add3A_70, %mul3A_69 : i32
      %mul3A_72 = arith.constant 640 : i32
      %mul3A_73 = arith.muli %arg1, %mul3A_72 : i32
      %add3A_74 = arith.addi %mul3A_73, %add3A_71 : i32
      "tpu.region"() ({
        %run_scoped3A = tpu.sem_alloc : memref<!tpu.dma_semaphore, #tpu.memory_space<semaphore_mem>>
        %dma_start3A_75 = arith.constant 0 : i32
        %dma_start3A_76 = tpu.memref_slice %arg6[%arg0, %add3A_74, %dma_start3A_75] : memref<2x10240x128xf32, #tpu.memory_space<hbm>> -> memref<1x40x128xf32, #tpu.memory_space<hbm>>
        %dma_start3A_77 = tpu.memref_squeeze %dma_start3A_76 : memref<1x40x128xf32, #tpu.memory_space<hbm>> -> memref<40x128xf32, #tpu.memory_space<hbm>>
        %dma_start3A_78 = arith.constant 0 : i32
        %dma_start3A_79 = tpu.memref_slice %arg7[%add3A_74, %dma_start3A_78] : memref<10240x128xf32, #tpu.memory_space<vmem_shared>> -> memref<40x128xf32, #tpu.memory_space<vmem_shared>>
        tpu.enqueue_dma source(%dma_start3A_79 : memref<40x128xf32, #tpu.memory_space<vmem_shared>>) target(%dma_start3A_77 : memref<40x128xf32, #tpu.memory_space<hbm>>) target_semaphore(%run_scoped3A : memref<!tpu.dma_semaphore, #tpu.memory_space<semaphore_mem>>)
        %dma_wait3A_80 = arith.constant 0 : i32
        %dma_wait3A_81 = tpu.memref_slice %arg6[%arg0, %add3A_74, %dma_wait3A_80] : memref<2x10240x128xf32, #tpu.memory_space<hbm>> -> memref<1x40x128xf32, #tpu.memory_space<hbm>>
        %dma_wait3A_82 = tpu.memref_squeeze %dma_wait3A_81 : memref<1x40x128xf32, #tpu.memory_space<hbm>> -> memref<40x128xf32, #tpu.memory_space<hbm>>
        %dma_wait3A_83 = arith.constant 0 : i32
        %dma_wait3A_84 = tpu.memref_slice %arg7[%add3A_74, %dma_wait3A_83] : memref<10240x128xf32, #tpu.memory_space<vmem_shared>> -> memref<40x128xf32, #tpu.memory_space<vmem_shared>>
        tpu.wait_dma2 semaphore(%run_scoped3A : memref<!tpu.dma_semaphore, #tpu.memory_space<semaphore_mem>>) src(%dma_wait3A_84 : memref<40x128xf32, #tpu.memory_space<vmem_shared>>) dst(%dma_wait3A_82 : memref<40x128xf32, #tpu.memory_space<hbm>>)
        tpu.yield
      }) : () -> ()
    }
    %scan3A_66 = arith.constant 16 : i32
    return
  }
}

#map = affine_map<(d0, d1) -> (0, 0)>
#map1 = affine_map<(d0, d1) -> (0)>
#map2 = affine_map<(d0, d1) -> (0, 0, 0)>
module attributes {stable_mosaic.version = 14 : i64} {
  func.func @sc_kernel(%arg0: i32, %arg1: i32, %arg2: memref<10000x128xf32, #tpu.memory_space<hbm>>, %arg3: memref<163840x128xf32, #tpu.memory_space<hbm>>, %arg4: memref<163840xi32, #tpu.memory_space<hbm>>, %arg5: memref<163840xi32, #tpu.memory_space<hbm>>, %arg6: memref<2x10240x128xf32, #tpu.memory_space<hbm>>, %arg7: memref<10240x128xf32, #tpu.memory_space<vmem_shared>>, %arg8: memref<5120xi32, #tpu.memory_space<vmem>>, %arg9: memref<40xi32, #tpu.memory_space<vmem>>, %arg10: memref<40xi32, #tpu.memory_space<vmem>>, %arg11: memref<40x128xf32, #tpu.memory_space<vmem>>, %arg12: memref<40x128xf32, #tpu.memory_space<vmem>>, %arg13: memref<40x128xf32, #tpu.memory_space<vmem>>, %arg14: memref<40x128xf32, #tpu.memory_space<vmem>>, %arg15: memref<!tpu.dma_semaphore, #tpu.memory_space<semaphore_mem>>, %arg16: memref<!tpu.dma_semaphore, #tpu.memory_space<semaphore_mem>>, %arg17: memref<!tpu.dma_semaphore, #tpu.memory_space<semaphore_mem>>, %arg18: memref<!tpu.dma_semaphore, #tpu.memory_space<semaphore_mem>>, %arg19: memref<!tpu.dma_semaphore, #tpu.memory_space<semaphore_mem>>, %arg20: memref<!tpu.dma_semaphore, #tpu.memory_space<semaphore_mem>>, %arg21: memref<!tpu.dma_semaphore, #tpu.memory_space<semaphore_mem>>, %arg22: memref<!tpu.dma_semaphore, #tpu.memory_space<semaphore_mem>>) attributes {dimension_semantics = [#tpu.dimension_semantics<core_parallel>, #tpu.dimension_semantics<subcore_parallel>], iteration_bounds = array<i64: 2, 16>, scalar_prefetch = 0 : i64, scratch_operands = 16 : i64, tpu.core_type = #tpu.core_type<sc_vector_subcore>, window_params = [{transform_indices = #map}, {transform_indices = #map}, {transform_indices = #map1}, {transform_indices = #map1}, {transform_indices = #map2}]} {
    %mul3A = arith.constant 2 : i32
    %mul3A_0 = arith.muli %arg1, %mul3A : i32
    %add3A = arith.addi %mul3A_0, %arg0 : i32
    %mul3A_1 = arith.constant 128 : i32
    %mul3A_2 = arith.muli %add3A, %mul3A_1 : i32
    %scan3A = arith.constant 0 : i32
    %scan3A_3 = arith.constant 40 : i32
    %scan3A_4 = arith.addi %scan3A, %scan3A_3 : i32
    %scan3A_5 = arith.constant 1 : i32
    scf.for %scan3A_67 = %scan3A to %scan3A_4 step %scan3A_5  : i32 {
      %mul3A_68 = arith.constant 1 : i32
      %mul3A_69 = arith.muli %scan3A_67, %mul3A_68 : i32
      %add3A_70 = arith.constant 0 : i32
      %add3A_71 = arith.addi %add3A_70, %mul3A_69 : i32
      %scan3A_72 = arith.constant 0 : i32
      %scan3A_73 = arith.constant 8 : i32
      %scan3A_74 = arith.addi %scan3A_72, %scan3A_73 : i32
      %scan3A_75 = arith.constant 1 : i32
      scf.for %scan3A_77 = %scan3A_72 to %scan3A_74 step %scan3A_75  : i32 {
        %mul3A_78 = arith.constant 16 : i32
        %mul3A_79 = arith.muli %scan3A_77, %mul3A_78 : i32
        %add3A_80 = arith.constant 0 : i32
        %add3A_81 = arith.addi %add3A_80, %mul3A_79 : i32
        %broadcast_in_dim3A = arith.constant 0.000000e+00 : f32
        %broadcast_in_dim3A_82 = vector.broadcast %broadcast_in_dim3A : f32 to vector<16xf32>
        %swap3A = arith.index_cast %add3A_71 : i32 to index
        %swap3A_83 = arith.index_cast %add3A_81 : i32 to index
        %swap3A_84 = tpu.vector_load %arg11[%swap3A, %swap3A_83] {strides = array<i32>} : memref<40x128xf32, #tpu.memory_space<vmem>>, vector<1x16xf32>,
        %swap3A_85 = vector.shape_cast %swap3A_84 : vector<1x16xf32> to vector<16xf32>
        %swap3A_86 = vector.shape_cast %broadcast_in_dim3A_82 : vector<16xf32> to vector<1x16xf32>
        tpu.vector_store %arg11[%swap3A, %swap3A_83], %swap3A_86 {strides = array<i32>} : memref<40x128xf32, #tpu.memory_space<vmem>>, vector<1x16xf32>,
      }
      %scan3A_76 = arith.constant 8 : i32
    }
    %scan3A_6 = arith.constant 40 : i32
    %scan3A_7 = arith.constant 0 : i32
    %scan3A_8 = arith.constant 16 : i32
    %scan3A_9 = arith.addi %scan3A_7, %scan3A_8 : i32
    %scan3A_10 = arith.constant 1 : i32
    scf.for %scan3A_67 = %scan3A_7 to %scan3A_9 step %scan3A_10  : i32 {
      %mul3A_68 = arith.constant 40 : i32
      %mul3A_69 = arith.muli %scan3A_67, %mul3A_68 : i32
      %add3A_70 = arith.constant 0 : i32
      %add3A_71 = arith.addi %add3A_70, %mul3A_69 : i32
      %mul3A_72 = arith.constant 640 : i32
      %mul3A_73 = arith.muli %arg1, %mul3A_72 : i32
      %add3A_74 = arith.addi %mul3A_73, %add3A_71 : i32
      "tpu.region"() ({
        %run_scoped3A = tpu.sem_alloc : memref<!tpu.dma_semaphore, #tpu.memory_space<semaphore_mem>>
        %dma_start3A_75 = arith.constant 0 : i32
        %dma_start3A_76 = tpu.memref_slice %arg7[%add3A_74, %dma_start3A_75] : memref<10240x128xf32, #tpu.memory_space<vmem_shared>> -> memref<40x128xf32, #tpu.memory_space<vmem_shared>>
        %dma_start3A_77 = arith.constant 0 : i32
        %dma_start3A_78 = tpu.memref_slice %arg7[%add3A_74, %dma_start3A_77] : memref<10240x128xf32, #tpu.memory_space<vmem_shared>> -> memref<40x128xf32, #tpu.memory_space<vmem_shared>>
        tpu.enqueue_dma source(%arg11 : memref<40x128xf32, #tpu.memory_space<vmem>>) target(%dma_start3A_78 : memref<40x128xf32, #tpu.memory_space<vmem_shared>>) target_semaphore(%run_scoped3A : memref<!tpu.dma_semaphore, #tpu.memory_space<semaphore_mem>>)
        %dma_wait3A_79 = arith.constant 0 : i32
        %dma_wait3A_80 = tpu.memref_slice %arg7[%add3A_74, %dma_wait3A_79] : memref<10240x128xf32, #tpu.memory_space<vmem_shared>> -> memref<40x128xf32, #tpu.memory_space<vmem_shared>>
        %dma_wait3A_81 = arith.constant 0 : i32
        %dma_wait3A_82 = tpu.memref_slice %arg7[%add3A_74, %dma_wait3A_81] : memref<10240x128xf32, #tpu.memory_space<vmem_shared>> -> memref<40x128xf32, #tpu.memory_space<vmem_shared>>
        tpu.wait_dma2 semaphore(%run_scoped3A : memref<!tpu.dma_semaphore, #tpu.memory_space<semaphore_mem>>) src(%arg11 : memref<40x128xf32, #tpu.memory_space<vmem>>) dst(%dma_wait3A_82 : memref<40x128xf32, #tpu.memory_space<vmem_shared>>)
        tpu.yield
      }) : () -> ()
    }
    %scan3A_11 = arith.constant 16 : i32
    %mul3A_12 = arith.constant 5120 : i32
    %mul3A_13 = arith.muli %add3A, %mul3A_12 : i32
    "tpu.region"() ({
      %run_scoped3A = tpu.sem_alloc : memref<!tpu.dma_semaphore, #tpu.memory_space<semaphore_mem>>
      %dma_start3A_67 = tpu.memref_slice %arg4[%mul3A_13] : memref<163840xi32, #tpu.memory_space<hbm>> -> memref<5120xi32, #tpu.memory_space<hbm>>
      %dma_start3A_68 = tpu.memref_slice %arg4[%mul3A_13] : memref<163840xi32, #tpu.memory_space<hbm>> -> memref<5120xi32, #tpu.memory_space<hbm>>
      tpu.enqueue_dma source(%dma_start3A_68 : memref<5120xi32, #tpu.memory_space<hbm>>) target(%arg8 : memref<5120xi32, #tpu.memory_space<vmem>>) target_semaphore(%run_scoped3A : memref<!tpu.dma_semaphore, #tpu.memory_space<semaphore_mem>>)
      %dma_wait3A_69 = tpu.memref_slice %arg4[%mul3A_13] : memref<163840xi32, #tpu.memory_space<hbm>> -> memref<5120xi32, #tpu.memory_space<hbm>>
      %dma_wait3A_70 = tpu.memref_slice %arg4[%mul3A_13] : memref<163840xi32, #tpu.memory_space<hbm>> -> memref<5120xi32, #tpu.memory_space<hbm>>
      tpu.wait_dma2 semaphore(%run_scoped3A : memref<!tpu.dma_semaphore, #tpu.memory_space<semaphore_mem>>) src(%dma_wait3A_70 : memref<5120xi32, #tpu.memory_space<hbm>>) dst(%arg8 : memref<5120xi32, #tpu.memory_space<vmem>>)
      tpu.yield
    }) : () -> ()
    %barrier3A = arith.constant 0 : index
    tpu.barrier barrier_id(%barrier3A)
    %dma_start3A = arith.constant 0 : i32
    %dma_start3A_14 = tpu.memref_slice %arg8[%dma_start3A] : memref<5120xi32, #tpu.memory_space<vmem>> -> memref<40xi32, #tpu.memory_space<vmem>>
    %dma_start3A_15 = arith.constant 0 : i32
    %dma_start3A_16 = arith.constant 0 : i32
    %dma_start3A_17 = tpu.memref_slice %arg2[%dma_start3A_15, %dma_start3A_16] : memref<10000x128xf32, #tpu.memory_space<hbm>> -> memref<10000x128xf32, #tpu.memory_space<hbm>>
    tpu.enqueue_indirect_dma source(%dma_start3A_17 : memref<10000x128xf32, #tpu.memory_space<hbm>>) target(%arg11 : memref<40x128xf32, #tpu.memory_space<vmem>>) offsets(%dma_start3A_14 : memref<40xi32, #tpu.memory_space<vmem>>) semaphore(%arg15 : memref<!tpu.dma_semaphore, #tpu.memory_space<semaphore_mem>>)
    %add3A_18 = arith.constant 0 : i32
    %add3A_19 = arith.addi %mul3A_2, %add3A_18 : i32
    %mul3A_20 = arith.constant 40 : i32
    %mul3A_21 = arith.muli %add3A_19, %mul3A_20 : i32
    %dma_start3A_22 = arith.constant 0 : i32
    %dma_start3A_23 = tpu.memref_slice %arg3[%mul3A_21, %dma_start3A_22] : memref<163840x128xf32, #tpu.memory_space<hbm>> -> memref<40x128xf32, #tpu.memory_space<hbm>>
    %dma_start3A_24 = arith.constant 0 : i32
    %dma_start3A_25 = tpu.memref_slice %arg3[%mul3A_21, %dma_start3A_24] : memref<163840x128xf32, #tpu.memory_space<hbm>> -> memref<40x128xf32, #tpu.memory_space<hbm>>
    tpu.enqueue_dma source(%dma_start3A_25 : memref<40x128xf32, #tpu.memory_space<hbm>>) target(%arg13 : memref<40x128xf32, #tpu.memory_space<vmem>>) target_semaphore(%arg17 : memref<!tpu.dma_semaphore, #tpu.memory_space<semaphore_mem>>)
    %mul3A_26 = arith.constant 5120 : i32
    %mul3A_27 = arith.muli %add3A, %mul3A_26 : i32
    %add3A_28 = arith.constant 0 : i32
    %add3A_29 = arith.addi %mul3A_27, %add3A_28 : i32
    %dma_start3A_30 = tpu.memref_slice %arg5[%add3A_29] : memref<163840xi32, #tpu.memory_space<hbm>> -> memref<40xi32, #tpu.memory_space<hbm>>
    %dma_start3A_31 = tpu.memref_slice %arg5[%add3A_29] : memref<163840xi32, #tpu.memory_space<hbm>> -> memref<40xi32, #tpu.memory_space<hbm>>
    tpu.enqueue_dma source(%dma_start3A_31 : memref<40xi32, #tpu.memory_space<hbm>>) target(%arg9 : memref<40xi32, #tpu.memory_space<vmem>>) target_semaphore(%arg19 : memref<!tpu.dma_semaphore, #tpu.memory_space<semaphore_mem>>)
    %dma_start3A_32 = arith.constant 40 : i32
    %dma_start3A_33 = tpu.memref_slice %arg8[%dma_start3A_32] : memref<5120xi32, #tpu.memory_space<vmem>> -> memref<40xi32, #tpu.memory_space<vmem>>
    %dma_start3A_34 = arith.constant 0 : i32
    %dma_start3A_35 = arith.constant 0 : i32
    %dma_start3A_36 = tpu.memref_slice %arg2[%dma_start3A_34, %dma_start3A_35] : memref<10000x128xf32, #tpu.memory_space<hbm>> -> memref<10000x128xf32, #tpu.memory_space<hbm>>
    tpu.enqueue_indirect_dma source(%dma_start3A_36 : memref<10000x128xf32, #tpu.memory_space<hbm>>) target(%arg12 : memref<40x128xf32, #tpu.memory_space<vmem>>) offsets(%dma_start3A_33 : memref<40xi32, #tpu.memory_space<vmem>>) semaphore(%arg16 : memref<!tpu.dma_semaphore, #tpu.memory_space<semaphore_mem>>)
    %add3A_37 = arith.constant 1 : i32
    %add3A_38 = arith.addi %mul3A_2, %add3A_37 : i32
    %mul3A_39 = arith.constant 40 : i32
    %mul3A_40 = arith.muli %add3A_38, %mul3A_39 : i32
    %dma_start3A_41 = arith.constant 0 : i32
    %dma_start3A_42 = tpu.memref_slice %arg3[%mul3A_40, %dma_start3A_41] : memref<163840x128xf32, #tpu.memory_space<hbm>> -> memref<40x128xf32, #tpu.memory_space<hbm>>
    %dma_start3A_43 = arith.constant 0 : i32
    %dma_start3A_44 = tpu.memref_slice %arg3[%mul3A_40, %dma_start3A_43] : memref<163840x128xf32, #tpu.memory_space<hbm>> -> memref<40x128xf32, #tpu.memory_space<hbm>>
    tpu.enqueue_dma source(%dma_start3A_44 : memref<40x128xf32, #tpu.memory_space<hbm>>) target(%arg14 : memref<40x128xf32, #tpu.memory_space<vmem>>) target_semaphore(%arg18 : memref<!tpu.dma_semaphore, #tpu.memory_space<semaphore_mem>>)
    %mul3A_45 = arith.constant 5120 : i32
    %mul3A_46 = arith.muli %add3A, %mul3A_45 : i32
    %add3A_47 = arith.constant 40 : i32
    %add3A_48 = arith.addi %mul3A_46, %add3A_47 : i32
    %dma_start3A_49 = tpu.memref_slice %arg5[%add3A_48] : memref<163840xi32, #tpu.memory_space<hbm>> -> memref<40xi32, #tpu.memory_space<hbm>>
    %dma_start3A_50 = tpu.memref_slice %arg5[%add3A_48] : memref<163840xi32, #tpu.memory_space<hbm>> -> memref<40xi32, #tpu.memory_space<hbm>>
    tpu.enqueue_dma source(%dma_start3A_50 : memref<40xi32, #tpu.memory_space<hbm>>) target(%arg10 : memref<40xi32, #tpu.memory_space<vmem>>) target_semaphore(%arg20 : memref<!tpu.dma_semaphore, #tpu.memory_space<semaphore_mem>>)
    %scan3A_51 = arith.constant 0 : i32
    %scan3A_52 = arith.constant 64 : i32
    %scan3A_53 = arith.addi %scan3A_51, %scan3A_52 : i32
    %scan3A_54 = arith.constant 1 : i32
    scf.for %scan3A_67 = %scan3A_51 to %scan3A_53 step %scan3A_54  : i32 {
      %mul3A_68 = arith.constant 2 : i32
      %mul3A_69 = arith.muli %scan3A_67, %mul3A_68 : i32
      %add3A_70 = arith.constant 0 : i32
      %add3A_71 = arith.addi %add3A_70, %mul3A_69 : i32
      %add3A_72 = arith.constant 0 : i32
      %add3A_73 = arith.addi %add3A_71, %add3A_72 : i32
      %mul3A_74 = arith.constant 40 : i32
      %mul3A_75 = arith.muli %add3A_73, %mul3A_74 : i32
      %dma_wait3A_76 = tpu.memref_slice %arg8[%mul3A_75] : memref<5120xi32, #tpu.memory_space<vmem>> -> memref<40xi32, #tpu.memory_space<vmem>>
      %dma_wait3A_77 = arith.constant 0 : i32
      %dma_wait3A_78 = arith.constant 0 : i32
      %dma_wait3A_79 = tpu.memref_slice %arg2[%dma_wait3A_77, %dma_wait3A_78] : memref<10000x128xf32, #tpu.memory_space<hbm>> -> memref<10000x128xf32, #tpu.memory_space<hbm>>
      tpu.wait_indirect_dma semaphore(%arg15 : memref<!tpu.dma_semaphore, #tpu.memory_space<semaphore_mem>>) src(%dma_wait3A_79 : memref<10000x128xf32, #tpu.memory_space<hbm>>) dst(%arg11 : memref<40x128xf32, #tpu.memory_space<vmem>>)
      %add3A_80 = arith.addi %mul3A_2, %add3A_73 : i32
      %mul3A_81 = arith.constant 40 : i32
      %mul3A_82 = arith.muli %add3A_80, %mul3A_81 : i32
      %dma_wait3A_83 = arith.constant 0 : i32
      %dma_wait3A_84 = tpu.memref_slice %arg3[%mul3A_82, %dma_wait3A_83] : memref<163840x128xf32, #tpu.memory_space<hbm>> -> memref<40x128xf32, #tpu.memory_space<hbm>>
      %dma_wait3A_85 = arith.constant 0 : i32
      %dma_wait3A_86 = tpu.memref_slice %arg3[%mul3A_82, %dma_wait3A_85] : memref<163840x128xf32, #tpu.memory_space<hbm>> -> memref<40x128xf32, #tpu.memory_space<hbm>>
      tpu.wait_dma2 semaphore(%arg17 : memref<!tpu.dma_semaphore, #tpu.memory_space<semaphore_mem>>) src(%dma_wait3A_86 : memref<40x128xf32, #tpu.memory_space<hbm>>) dst(%arg13 : memref<40x128xf32, #tpu.memory_space<vmem>>)
      %mul3A_87 = arith.constant 5120 : i32
      %mul3A_88 = arith.muli %add3A, %mul3A_87 : i32
      %mul3A_89 = arith.constant 40 : i32
      %mul3A_90 = arith.muli %add3A_73, %mul3A_89 : i32
      %add3A_91 = arith.addi %mul3A_88, %mul3A_90 : i32
      %dma_wait3A_92 = tpu.memref_slice %arg5[%add3A_91] : memref<163840xi32, #tpu.memory_space<hbm>> -> memref<40xi32, #tpu.memory_space<hbm>>
      %dma_wait3A_93 = tpu.memref_slice %arg5[%add3A_91] : memref<163840xi32, #tpu.memory_space<hbm>> -> memref<40xi32, #tpu.memory_space<hbm>>
      tpu.wait_dma2 semaphore(%arg19 : memref<!tpu.dma_semaphore, #tpu.memory_space<semaphore_mem>>) src(%dma_wait3A_93 : memref<40xi32, #tpu.memory_space<hbm>>) dst(%arg9 : memref<40xi32, #tpu.memory_space<vmem>>)
      %scan3A_94 = arith.constant 0 : i32
      %scan3A_95 = arith.constant 40 : i32
      %scan3A_96 = arith.addi %scan3A_94, %scan3A_95 : i32
      %scan3A_97 = arith.constant 1 : i32
      scf.for %scan3A_147 = %scan3A_94 to %scan3A_96 step %scan3A_97  : i32 {
        %mul3A_148 = arith.constant 1 : i32
        %mul3A_149 = arith.muli %scan3A_147, %mul3A_148 : i32
        %add3A_150 = arith.constant 0 : i32
        %add3A_151 = arith.addi %add3A_150, %mul3A_149 : i32
        %get3A = arith.index_cast %add3A_151 : i32 to index
        %get3A_152 = arith.constant 0 : index
        %get3A_153 = tpu.vector_load %arg11[%get3A, %get3A_152] {strides = array<i32>} : memref<40x128xf32, #tpu.memory_space<vmem>>, vector<1x16xf32>,
        %get3A_154 = vector.shape_cast %get3A_153 : vector<1x16xf32> to vector<16xf32>
        %get3A_155 = arith.index_cast %add3A_151 : i32 to index
        %get3A_156 = arith.constant 0 : index
        %get3A_157 = tpu.vector_load %arg13[%get3A_155, %get3A_156] {strides = array<i32>} : memref<40x128xf32, #tpu.memory_space<vmem>>, vector<1x16xf32>,
        %get3A_158 = vector.shape_cast %get3A_157 : vector<1x16xf32> to vector<16xf32>
        %mul3A_159 = arith.mulf %get3A_154, %get3A_158 : vector<16xf32>
        %swap3A = arith.index_cast %add3A_151 : i32 to index
        %swap3A_160 = arith.constant 0 : index
        %swap3A_161 = tpu.vector_load %arg11[%swap3A, %swap3A_160] {strides = array<i32>} : memref<40x128xf32, #tpu.memory_space<vmem>>, vector<1x16xf32>,
        %swap3A_162 = vector.shape_cast %swap3A_161 : vector<1x16xf32> to vector<16xf32>
        %swap3A_163 = vector.shape_cast %mul3A_159 : vector<16xf32> to vector<1x16xf32>
        tpu.vector_store %arg11[%swap3A, %swap3A_160], %swap3A_163 {strides = array<i32>} : memref<40x128xf32, #tpu.memory_space<vmem>>, vector<1x16xf32>,
        %get3A_164 = arith.index_cast %add3A_151 : i32 to index
        %get3A_165 = arith.constant 16 : index
        %get3A_166 = tpu.vector_load %arg11[%get3A_164, %get3A_165] {strides = array<i32>} : memref<40x128xf32, #tpu.memory_space<vmem>>, vector<1x16xf32>,
        %get3A_167 = vector.shape_cast %get3A_166 : vector<1x16xf32> to vector<16xf32>
        %get3A_168 = arith.index_cast %add3A_151 : i32 to index
        %get3A_169 = arith.constant 16 : index
        %get3A_170 = tpu.vector_load %arg13[%get3A_168, %get3A_169] {strides = array<i32>} : memref<40x128xf32, #tpu.memory_space<vmem>>, vector<1x16xf32>,
        %get3A_171 = vector.shape_cast %get3A_170 : vector<1x16xf32> to vector<16xf32>
        %mul3A_172 = arith.mulf %get3A_167, %get3A_171 : vector<16xf32>
        %swap3A_173 = arith.index_cast %add3A_151 : i32 to index
        %swap3A_174 = arith.constant 16 : index
        %swap3A_175 = tpu.vector_load %arg11[%swap3A_173, %swap3A_174] {strides = array<i32>} : memref<40x128xf32, #tpu.memory_space<vmem>>, vector<1x16xf32>,
        %swap3A_176 = vector.shape_cast %swap3A_175 : vector<1x16xf32> to vector<16xf32>
        %swap3A_177 = vector.shape_cast %mul3A_172 : vector<16xf32> to vector<1x16xf32>
        tpu.vector_store %arg11[%swap3A_173, %swap3A_174], %swap3A_177 {strides = array<i32>} : memref<40x128xf32, #tpu.memory_space<vmem>>, vector<1x16xf32>,
        %get3A_178 = arith.index_cast %add3A_151 : i32 to index
        %get3A_179 = arith.constant 32 : index
        %get3A_180 = tpu.vector_load %arg11[%get3A_178, %get3A_179] {strides = array<i32>} : memref<40x128xf32, #tpu.memory_space<vmem>>, vector<1x16xf32>,
        %get3A_181 = vector.shape_cast %get3A_180 : vector<1x16xf32> to vector<16xf32>
        %get3A_182 = arith.index_cast %add3A_151 : i32 to index
        %get3A_183 = arith.constant 32 : index
        %get3A_184 = tpu.vector_load %arg13[%get3A_182, %get3A_183] {strides = array<i32>} : memref<40x128xf32, #tpu.memory_space<vmem>>, vector<1x16xf32>,
        %get3A_185 = vector.shape_cast %get3A_184 : vector<1x16xf32> to vector<16xf32>
        %mul3A_186 = arith.mulf %get3A_181, %get3A_185 : vector<16xf32>
        %swap3A_187 = arith.index_cast %add3A_151 : i32 to index
        %swap3A_188 = arith.constant 32 : index
        %swap3A_189 = tpu.vector_load %arg11[%swap3A_187, %swap3A_188] {strides = array<i32>} : memref<40x128xf32, #tpu.memory_space<vmem>>, vector<1x16xf32>,
        %swap3A_190 = vector.shape_cast %swap3A_189 : vector<1x16xf32> to vector<16xf32>
        %swap3A_191 = vector.shape_cast %mul3A_186 : vector<16xf32> to vector<1x16xf32>
        tpu.vector_store %arg11[%swap3A_187, %swap3A_188], %swap3A_191 {strides = array<i32>} : memref<40x128xf32, #tpu.memory_space<vmem>>, vector<1x16xf32>,
      }
      %scan3A_98 = arith.constant 40 : i32
      %dma_start3A_99 = arith.constant 0 : i32
      %dma_start3A_100 = arith.constant 0 : i32
      %dma_start3A_101 = tpu.memref_slice %arg7[%dma_start3A_99, %dma_start3A_100] : memref<10240x128xf32, #tpu.memory_space<vmem_shared>> -> memref<10240x128xf32, #tpu.memory_space<vmem_shared>>
      tpu.enqueue_indirect_dma source(%arg11 : memref<40x128xf32, #tpu.memory_space<vmem>>) target(%dma_start3A_101 : memref<10240x128xf32, #tpu.memory_space<vmem_shared>>) offsets(%arg9 : memref<40xi32, #tpu.memory_space<vmem>>) semaphore(%arg21 : memref<!tpu.dma_semaphore, #tpu.memory_space<semaphore_mem>>) {add = true}
      %add3A_102 = arith.constant 1 : i32
      %add3A_103 = arith.addi %add3A_71, %add3A_102 : i32
      %mul3A_104 = arith.constant 40 : i32
      %mul3A_105 = arith.muli %add3A_103, %mul3A_104 : i32
      %dma_wait3A_106 = tpu.memref_slice %arg8[%mul3A_105] : memref<5120xi32, #tpu.memory_space<vmem>> -> memref<40xi32, #tpu.memory_space<vmem>>
      %dma_wait3A_107 = arith.constant 0 : i32
      %dma_wait3A_108 = arith.constant 0 : i32
      %dma_wait3A_109 = tpu.memref_slice %arg2[%dma_wait3A_107, %dma_wait3A_108] : memref<10000x128xf32, #tpu.memory_space<hbm>> -> memref<10000x128xf32, #tpu.memory_space<hbm>>
      tpu.wait_indirect_dma semaphore(%arg16 : memref<!tpu.dma_semaphore, #tpu.memory_space<semaphore_mem>>) src(%dma_wait3A_109 : memref<10000x128xf32, #tpu.memory_space<hbm>>) dst(%arg12 : memref<40x128xf32, #tpu.memory_space<vmem>>)
      %add3A_110 = arith.addi %mul3A_2, %add3A_103 : i32
      %mul3A_111 = arith.constant 40 : i32
      %mul3A_112 = arith.muli %add3A_110, %mul3A_111 : i32
      %dma_wait3A_113 = arith.constant 0 : i32
      %dma_wait3A_114 = tpu.memref_slice %arg3[%mul3A_112, %dma_wait3A_113] : memref<163840x128xf32, #tpu.memory_space<hbm>> -> memref<40x128xf32, #tpu.memory_space<hbm>>
      %dma_wait3A_115 = arith.constant 0 : i32
      %dma_wait3A_116 = tpu.memref_slice %arg3[%mul3A_112, %dma_wait3A_115] : memref<163840x128xf32, #tpu.memory_space<hbm>> -> memref<40x128xf32, #tpu.memory_space<hbm>>
      tpu.wait_dma2 semaphore(%arg18 : memref<!tpu.dma_semaphore, #tpu.memory_space<semaphore_mem>>) src(%dma_wait3A_116 : memref<40x128xf32, #tpu.memory_space<hbm>>) dst(%arg14 : memref<40x128xf32, #tpu.memory_space<vmem>>)
      %mul3A_117 = arith.constant 5120 : i32
      %mul3A_118 = arith.muli %add3A, %mul3A_117 : i32
      %mul3A_119 = arith.constant 40 : i32
      %mul3A_120 = arith.muli %add3A_103, %mul3A_119 : i32
      %add3A_121 = arith.addi %mul3A_118, %mul3A_120 : i32
      %dma_wait3A_122 = tpu.memref_slice %arg5[%add3A_121] : memref<163840xi32, #tpu.memory_space<hbm>> -> memref<40xi32, #tpu.memory_space<hbm>>
      %dma_wait3A_123 = tpu.memref_slice %arg5[%add3A_121] : memref<163840xi32, #tpu.memory_space<hbm>> -> memref<40xi32, #tpu.memory_space<hbm>>
      tpu.wait_dma2 semaphore(%arg20 : memref<!tpu.dma_semaphore, #tpu.memory_space<semaphore_mem>>) src(%dma_wait3A_123 : memref<40xi32, #tpu.memory_space<hbm>>) dst(%arg10 : memref<40xi32, #tpu.memory_space<vmem>>)
      %scan3A_124 = arith.constant 0 : i32
      %scan3A_125 = arith.constant 40 : i32
      %scan3A_126 = arith.addi %scan3A_124, %scan3A_125 : i32
      %scan3A_127 = arith.constant 1 : i32
      scf.for %scan3A_147 = %scan3A_124 to %scan3A_126 step %scan3A_127  : i32 {
        %mul3A_148 = arith.constant 1 : i32
        %mul3A_149 = arith.muli %scan3A_147, %mul3A_148 : i32
        %add3A_150 = arith.constant 0 : i32
        %add3A_151 = arith.addi %add3A_150, %mul3A_149 : i32
        %get3A = arith.index_cast %add3A_151 : i32 to index
        %get3A_152 = arith.constant 0 : index
        %get3A_153 = tpu.vector_load %arg12[%get3A, %get3A_152] {strides = array<i32>} : memref<40x128xf32, #tpu.memory_space<vmem>>, vector<1x16xf32>,
        %get3A_154 = vector.shape_cast %get3A_153 : vector<1x16xf32> to vector<16xf32>
        %get3A_155 = arith.index_cast %add3A_151 : i32 to index
        %get3A_156 = arith.constant 0 : index
        %get3A_157 = tpu.vector_load %arg14[%get3A_155, %get3A_156] {strides = array<i32>} : memref<40x128xf32, #tpu.memory_space<vmem>>, vector<1x16xf32>,
        %get3A_158 = vector.shape_cast %get3A_157 : vector<1x16xf32> to vector<16xf32>
        %mul3A_159 = arith.mulf %get3A_154, %get3A_158 : vector<16xf32>
        %swap3A = arith.index_cast %add3A_151 : i32 to index
        %swap3A_160 = arith.constant 0 : index
        %swap3A_161 = tpu.vector_load %arg12[%swap3A, %swap3A_160] {strides = array<i32>} : memref<40x128xf32, #tpu.memory_space<vmem>>, vector<1x16xf32>,
        %swap3A_162 = vector.shape_cast %swap3A_161 : vector<1x16xf32> to vector<16xf32>
        %swap3A_163 = vector.shape_cast %mul3A_159 : vector<16xf32> to vector<1x16xf32>
        tpu.vector_store %arg12[%swap3A, %swap3A_160], %swap3A_163 {strides = array<i32>} : memref<40x128xf32, #tpu.memory_space<vmem>>, vector<1x16xf32>,
        %get3A_164 = arith.index_cast %add3A_151 : i32 to index
        %get3A_165 = arith.constant 16 : index
        %get3A_166 = tpu.vector_load %arg12[%get3A_164, %get3A_165] {strides = array<i32>} : memref<40x128xf32, #tpu.memory_space<vmem>>, vector<1x16xf32>,
        %get3A_167 = vector.shape_cast %get3A_166 : vector<1x16xf32> to vector<16xf32>
        %get3A_168 = arith.index_cast %add3A_151 : i32 to index
        %get3A_169 = arith.constant 16 : index
        %get3A_170 = tpu.vector_load %arg14[%get3A_168, %get3A_169] {strides = array<i32>} : memref<40x128xf32, #tpu.memory_space<vmem>>, vector<1x16xf32>,
        %get3A_171 = vector.shape_cast %get3A_170 : vector<1x16xf32> to vector<16xf32>
        %mul3A_172 = arith.mulf %get3A_167, %get3A_171 : vector<16xf32>
        %swap3A_173 = arith.index_cast %add3A_151 : i32 to index
        %swap3A_174 = arith.constant 16 : index
        %swap3A_175 = tpu.vector_load %arg12[%swap3A_173, %swap3A_174] {strides = array<i32>} : memref<40x128xf32, #tpu.memory_space<vmem>>, vector<1x16xf32>,
        %swap3A_176 = vector.shape_cast %swap3A_175 : vector<1x16xf32> to vector<16xf32>
        %swap3A_177 = vector.shape_cast %mul3A_172 : vector<16xf32> to vector<1x16xf32>
        tpu.vector_store %arg12[%swap3A_173, %swap3A_174], %swap3A_177 {strides = array<i32>} : memref<40x128xf32, #tpu.memory_space<vmem>>, vector<1x16xf32>,
        %get3A_178 = arith.index_cast %add3A_151 : i32 to index
        %get3A_179 = arith.constant 32 : index
        %get3A_180 = tpu.vector_load %arg12[%get3A_178, %get3A_179] {strides = array<i32>} : memref<40x128xf32, #tpu.memory_space<vmem>>, vector<1x16xf32>,
        %get3A_181 = vector.shape_cast %get3A_180 : vector<1x16xf32> to vector<16xf32>
        %get3A_182 = arith.index_cast %add3A_151 : i32 to index
        %get3A_183 = arith.constant 32 : index
        %get3A_184 = tpu.vector_load %arg14[%get3A_182, %get3A_183] {strides = array<i32>} : memref<40x128xf32, #tpu.memory_space<vmem>>, vector<1x16xf32>,
        %get3A_185 = vector.shape_cast %get3A_184 : vector<1x16xf32> to vector<16xf32>
        %mul3A_186 = arith.mulf %get3A_181, %get3A_185 : vector<16xf32>
        %swap3A_187 = arith.index_cast %add3A_151 : i32 to index
        %swap3A_188 = arith.constant 32 : index
        %swap3A_189 = tpu.vector_load %arg12[%swap3A_187, %swap3A_188] {strides = array<i32>} : memref<40x128xf32, #tpu.memory_space<vmem>>, vector<1x16xf32>,
        %swap3A_190 = vector.shape_cast %swap3A_189 : vector<1x16xf32> to vector<16xf32>
        %swap3A_191 = vector.shape_cast %mul3A_186 : vector<16xf32> to vector<1x16xf32>
        tpu.vector_store %arg12[%swap3A_187, %swap3A_188], %swap3A_191 {strides = array<i32>} : memref<40x128xf32, #tpu.memory_space<vmem>>, vector<1x16xf32>,
      }
      %scan3A_128 = arith.constant 40 : i32
      %dma_start3A_129 = arith.constant 0 : i32
      %dma_start3A_130 = arith.constant 0 : i32
      %dma_start3A_131 = tpu.memref_slice %arg7[%dma_start3A_129, %dma_start3A_130] : memref<10240x128xf32, #tpu.memory_space<vmem_shared>> -> memref<10240x128xf32, #tpu.memory_space<vmem_shared>>
      tpu.enqueue_indirect_dma source(%arg12 : memref<40x128xf32, #tpu.memory_space<vmem>>) target(%dma_start3A_131 : memref<10240x128xf32, #tpu.memory_space<vmem_shared>>) offsets(%arg10 : memref<40xi32, #tpu.memory_space<vmem>>) semaphore(%arg22 : memref<!tpu.dma_semaphore, #tpu.memory_space<semaphore_mem>>) {add = true}
      %add3A_132 = arith.constant 0 : i32
      %add3A_133 = arith.addi %add3A_71, %add3A_132 : i32
      %add3A_134 = arith.constant 2 : i32
      %add3A_135 = arith.addi %add3A_133, %add3A_134 : i32
      %lt3A = arith.constant 128 : i32
      %lt3A_136 = arith.cmpi slt, %add3A_135, %lt3A : i32
      %convert_element_type3A = arith.extui %lt3A_136 : i1 to i32
      %cond3A = arith.constant 0 : i32
      %cond3A_137 = arith.cmpi ne, %convert_element_type3A, %cond3A : i32
      scf.if %cond3A_137 {
        %dma_wait3A_147 = arith.constant 0 : i32
        %dma_wait3A_148 = arith.constant 0 : i32
        %dma_wait3A_149 = tpu.memref_slice %arg7[%dma_wait3A_147, %dma_wait3A_148] : memref<10240x128xf32, #tpu.memory_space<vmem_shared>> -> memref<10240x128xf32, #tpu.memory_space<vmem_shared>>
        tpu.wait_indirect_dma semaphore(%arg21 : memref<!tpu.dma_semaphore, #tpu.memory_space<semaphore_mem>>) src(%arg11 : memref<40x128xf32, #tpu.memory_space<vmem>>) dst(%dma_wait3A_149 : memref<10240x128xf32, #tpu.memory_space<vmem_shared>>)
        %add3A_150 = arith.constant 2 : i32
        %add3A_151 = arith.addi %add3A_133, %add3A_150 : i32
        %mul3A_152 = arith.constant 40 : i32
        %mul3A_153 = arith.muli %add3A_151, %mul3A_152 : i32
        %dma_start3A_154 = tpu.memref_slice %arg8[%mul3A_153] : memref<5120xi32, #tpu.memory_space<vmem>> -> memref<40xi32, #tpu.memory_space<vmem>>
        %dma_start3A_155 = arith.constant 0 : i32
        %dma_start3A_156 = arith.constant 0 : i32
        %dma_start3A_157 = tpu.memref_slice %arg2[%dma_start3A_155, %dma_start3A_156] : memref<10000x128xf32, #tpu.memory_space<hbm>> -> memref<10000x128xf32, #tpu.memory_space<hbm>>
        tpu.enqueue_indirect_dma source(%dma_start3A_157 : memref<10000x128xf32, #tpu.memory_space<hbm>>) target(%arg11 : memref<40x128xf32, #tpu.memory_space<vmem>>) offsets(%dma_start3A_154 : memref<40xi32, #tpu.memory_space<vmem>>) semaphore(%arg15 : memref<!tpu.dma_semaphore, #tpu.memory_space<semaphore_mem>>)
        %add3A_158 = arith.addi %mul3A_2, %add3A_151 : i32
        %mul3A_159 = arith.constant 40 : i32
        %mul3A_160 = arith.muli %add3A_158, %mul3A_159 : i32
        %dma_start3A_161 = arith.constant 0 : i32
        %dma_start3A_162 = tpu.memref_slice %arg3[%mul3A_160, %dma_start3A_161] : memref<163840x128xf32, #tpu.memory_space<hbm>> -> memref<40x128xf32, #tpu.memory_space<hbm>>
        %dma_start3A_163 = arith.constant 0 : i32
        %dma_start3A_164 = tpu.memref_slice %arg3[%mul3A_160, %dma_start3A_163] : memref<163840x128xf32, #tpu.memory_space<hbm>> -> memref<40x128xf32, #tpu.memory_space<hbm>>
        tpu.enqueue_dma source(%dma_start3A_164 : memref<40x128xf32, #tpu.memory_space<hbm>>) target(%arg13 : memref<40x128xf32, #tpu.memory_space<vmem>>) target_semaphore(%arg17 : memref<!tpu.dma_semaphore, #tpu.memory_space<semaphore_mem>>)
        %mul3A_165 = arith.constant 5120 : i32
        %mul3A_166 = arith.muli %add3A, %mul3A_165 : i32
        %mul3A_167 = arith.constant 40 : i32
        %mul3A_168 = arith.muli %add3A_151, %mul3A_167 : i32
        %add3A_169 = arith.addi %mul3A_166, %mul3A_168 : i32
        %dma_start3A_170 = tpu.memref_slice %arg5[%add3A_169] : memref<163840xi32, #tpu.memory_space<hbm>> -> memref<40xi32, #tpu.memory_space<hbm>>
        %dma_start3A_171 = tpu.memref_slice %arg5[%add3A_169] : memref<163840xi32, #tpu.memory_space<hbm>> -> memref<40xi32, #tpu.memory_space<hbm>>
        tpu.enqueue_dma source(%dma_start3A_171 : memref<40xi32, #tpu.memory_space<hbm>>) target(%arg9 : memref<40xi32, #tpu.memory_space<vmem>>) target_semaphore(%arg19 : memref<!tpu.dma_semaphore, #tpu.memory_space<semaphore_mem>>)
      } else {
      }
      %add3A_138 = arith.constant 1 : i32
      %add3A_139 = arith.addi %add3A_71, %add3A_138 : i32
      %add3A_140 = arith.constant 2 : i32
      %add3A_141 = arith.addi %add3A_139, %add3A_140 : i32
      %lt3A_142 = arith.constant 128 : i32
      %lt3A_143 = arith.cmpi slt, %add3A_141, %lt3A_142 : i32
      %convert_element_type3A_144 = arith.extui %lt3A_143 : i1 to i32
      %cond3A_145 = arith.constant 0 : i32
      %cond3A_146 = arith.cmpi ne, %convert_element_type3A_144, %cond3A_145 : i32
      scf.if %cond3A_146 {
        %dma_wait3A_147 = arith.constant 0 : i32
        %dma_wait3A_148 = arith.constant 0 : i32
        %dma_wait3A_149 = tpu.memref_slice %arg7[%dma_wait3A_147, %dma_wait3A_148] : memref<10240x128xf32, #tpu.memory_space<vmem_shared>> -> memref<10240x128xf32, #tpu.memory_space<vmem_shared>>
        tpu.wait_indirect_dma semaphore(%arg22 : memref<!tpu.dma_semaphore, #tpu.memory_space<semaphore_mem>>) src(%arg12 : memref<40x128xf32, #tpu.memory_space<vmem>>) dst(%dma_wait3A_149 : memref<10240x128xf32, #tpu.memory_space<vmem_shared>>)
        %add3A_150 = arith.constant 2 : i32
        %add3A_151 = arith.addi %add3A_139, %add3A_150 : i32
        %mul3A_152 = arith.constant 40 : i32
        %mul3A_153 = arith.muli %add3A_151, %mul3A_152 : i32
        %dma_start3A_154 = tpu.memref_slice %arg8[%mul3A_153] : memref<5120xi32, #tpu.memory_space<vmem>> -> memref<40xi32, #tpu.memory_space<vmem>>
        %dma_start3A_155 = arith.constant 0 : i32
        %dma_start3A_156 = arith.constant 0 : i32
        %dma_start3A_157 = tpu.memref_slice %arg2[%dma_start3A_155, %dma_start3A_156] : memref<10000x128xf32, #tpu.memory_space<hbm>> -> memref<10000x128xf32, #tpu.memory_space<hbm>>
        tpu.enqueue_indirect_dma source(%dma_start3A_157 : memref<10000x128xf32, #tpu.memory_space<hbm>>) target(%arg12 : memref<40x128xf32, #tpu.memory_space<vmem>>) offsets(%dma_start3A_154 : memref<40xi32, #tpu.memory_space<vmem>>) semaphore(%arg16 : memref<!tpu.dma_semaphore, #tpu.memory_space<semaphore_mem>>)
        %add3A_158 = arith.addi %mul3A_2, %add3A_151 : i32
        %mul3A_159 = arith.constant 40 : i32
        %mul3A_160 = arith.muli %add3A_158, %mul3A_159 : i32
        %dma_start3A_161 = arith.constant 0 : i32
        %dma_start3A_162 = tpu.memref_slice %arg3[%mul3A_160, %dma_start3A_161] : memref<163840x128xf32, #tpu.memory_space<hbm>> -> memref<40x128xf32, #tpu.memory_space<hbm>>
        %dma_start3A_163 = arith.constant 0 : i32
        %dma_start3A_164 = tpu.memref_slice %arg3[%mul3A_160, %dma_start3A_163] : memref<163840x128xf32, #tpu.memory_space<hbm>> -> memref<40x128xf32, #tpu.memory_space<hbm>>
        tpu.enqueue_dma source(%dma_start3A_164 : memref<40x128xf32, #tpu.memory_space<hbm>>) target(%arg14 : memref<40x128xf32, #tpu.memory_space<vmem>>) target_semaphore(%arg18 : memref<!tpu.dma_semaphore, #tpu.memory_space<semaphore_mem>>)
        %mul3A_165 = arith.constant 5120 : i32
        %mul3A_166 = arith.muli %add3A, %mul3A_165 : i32
        %mul3A_167 = arith.constant 40 : i32
        %mul3A_168 = arith.muli %add3A_151, %mul3A_167 : i32
        %add3A_169 = arith.addi %mul3A_166, %mul3A_168 : i32
        %dma_start3A_170 = tpu.memref_slice %arg5[%add3A_169] : memref<163840xi32, #tpu.memory_space<hbm>> -> memref<40xi32, #tpu.memory_space<hbm>>
        %dma_start3A_171 = tpu.memref_slice %arg5[%add3A_169] : memref<163840xi32, #tpu.memory_space<hbm>> -> memref<40xi32, #tpu.memory_space<hbm>>
        tpu.enqueue_dma source(%dma_start3A_171 : memref<40xi32, #tpu.memory_space<hbm>>) target(%arg10 : memref<40xi32, #tpu.memory_space<vmem>>) target_semaphore(%arg20 : memref<!tpu.dma_semaphore, #tpu.memory_space<semaphore_mem>>)
      } else {
      }
    }
    %scan3A_55 = arith.constant 64 : i32
    %dma_wait3A = arith.constant 0 : i32
    %dma_wait3A_56 = arith.constant 0 : i32
    %dma_wait3A_57 = tpu.memref_slice %arg7[%dma_wait3A, %dma_wait3A_56] : memref<10240x128xf32, #tpu.memory_space<vmem_shared>> -> memref<10240x128xf32, #tpu.memory_space<vmem_shared>>
    tpu.wait_indirect_dma semaphore(%arg21 : memref<!tpu.dma_semaphore, #tpu.memory_space<semaphore_mem>>) src(%arg11 : memref<40x128xf32, #tpu.memory_space<vmem>>) dst(%dma_wait3A_57 : memref<10240x128xf32, #tpu.memory_space<vmem_shared>>)
    %dma_wait3A_58 = arith.constant 0 : i32
    %dma_wait3A_59 = arith.constant 0 : i32
    %dma_wait3A_60 = tpu.memref_slice %arg7[%dma_wait3A_58, %dma_wait3A_59] : memref<10240x128xf32, #tpu.memory_space<vmem_shared>> -> memref<10240x128xf32, #tpu.memory_space<vmem_shared>>
    tpu.wait_indirect_dma semaphore(%arg22 : memref<!tpu.dma_semaphore, #tpu.memory_space<semaphore_mem>>) src(%arg12 : memref<40x128xf32, #tpu.memory_space<vmem>>) dst(%dma_wait3A_60 : memref<10240x128xf32, #tpu.memory_space<vmem_shared>>)
    %barrier3A_61 = arith.constant 0 : index
    tpu.barrier barrier_id(%barrier3A_61)
    %scan3A_62 = arith.constant 0 : i32
    %scan3A_63 = arith.constant 16 : i32
    %scan3A_64 = arith.addi %scan3A_62, %scan3A_63 : i32
    %scan3A_65 = arith.constant 1 : i32
    scf.for %scan3A_67 = %scan3A_62 to %scan3A_64 step %scan3A_65  : i32 {
      %mul3A_68 = arith.constant 40 : i32
      %mul3A_69 = arith.muli %scan3A_67, %mul3A_68 : i32
      %add3A_70 = arith.constant 0 : i32
      %add3A_71 = arith.addi %add3A_70, %mul3A_69 : i32
      %mul3A_72 = arith.constant 640 : i32
      %mul3A_73 = arith.muli %arg1, %mul3A_72 : i32
      %add3A_74 = arith.addi %mul3A_73, %add3A_71 : i32
      "tpu.region"() ({
        %run_scoped3A = tpu.sem_alloc : memref<!tpu.dma_semaphore, #tpu.memory_space<semaphore_mem>>
        %dma_start3A_75 = arith.constant 0 : i32
        %dma_start3A_76 = tpu.memref_slice %arg6[%arg0, %add3A_74, %dma_start3A_75] : memref<2x10240x128xf32, #tpu.memory_space<hbm>> -> memref<1x40x128xf32, #tpu.memory_space<hbm>>
        %dma_start3A_77 = tpu.memref_squeeze %dma_start3A_76 : memref<1x40x128xf32, #tpu.memory_space<hbm>> -> memref<40x128xf32, #tpu.memory_space<hbm>>
        %dma_start3A_78 = arith.constant 0 : i32
        %dma_start3A_79 = tpu.memref_slice %arg7[%add3A_74, %dma_start3A_78] : memref<10240x128xf32, #tpu.memory_space<vmem_shared>> -> memref<40x128xf32, #tpu.memory_space<vmem_shared>>
        tpu.enqueue_dma source(%dma_start3A_79 : memref<40x128xf32, #tpu.memory_space<vmem_shared>>) target(%dma_start3A_77 : memref<40x128xf32, #tpu.memory_space<hbm>>) target_semaphore(%run_scoped3A : memref<!tpu.dma_semaphore, #tpu.memory_space<semaphore_mem>>)
        %dma_wait3A_80 = arith.constant 0 : i32
        %dma_wait3A_81 = tpu.memref_slice %arg6[%arg0, %add3A_74, %dma_wait3A_80] : memref<2x10240x128xf32, #tpu.memory_space<hbm>> -> memref<1x40x128xf32, #tpu.memory_space<hbm>>
        %dma_wait3A_82 = tpu.memref_squeeze %dma_wait3A_81 : memref<1x40x128xf32, #tpu.memory_space<hbm>> -> memref<40x128xf32, #tpu.memory_space<hbm>>
        %dma_wait3A_83 = arith.constant 0 : i32
        %dma_wait3A_84 = tpu.memref_slice %arg7[%add3A_74, %dma_wait3A_83] : memref<10240x128xf32, #tpu.memory_space<vmem_shared>> -> memref<40x128xf32, #tpu.memory_space<vmem_shared>>
        tpu.wait_dma2 semaphore(%run_scoped3A : memref<!tpu.dma_semaphore, #tpu.memory_space<semaphore_mem>>) src(%dma_wait3A_84 : memref<40x128xf32, #tpu.memory_space<vmem_shared>>) dst(%dma_wait3A_82 : memref<40x128xf32, #tpu.memory_space<hbm>>)
        tpu.yield
      }) : () -> ()
    }
    %scan3A_66 = arith.constant 16 : i32
    return
  }
}

module attributes {stable_mosaic.version = 14 : i64} {
  func.func @_gate_body(%arg0: i32, %arg1: memref<2048x16xf32, #tpu.memory_space<vmem>>, %arg2: memref<16x128xf32, #tpu.memory_space<vmem>>, %arg3: memref<1x128xf32, #tpu.memory_space<vmem>>, %arg4: memref<2048x128xf32, #tpu.memory_space<vmem>>) attributes {dimension_semantics = [#tpu.dimension_semantics<arbitrary>], iteration_bounds = array<i64: 80>, scalar_prefetch = 0 : i64, scratch_operands = 0 : i64, tpu.core_type = #tpu.core_type<tc>, window_params = [{transform_indices = @transform_0, window_bounds = array<i64: 2048, 16>}, {pipeline_mode = #tpu.pipeline_mode<synchronous>, transform_indices = @transform_1, window_bounds = array<i64: 16, 128>}, {pipeline_mode = #tpu.pipeline_mode<synchronous>, transform_indices = @transform_2, window_bounds = array<i64: 1, 128>}, {transform_indices = @transform_3, window_bounds = array<i64: 2048, 128>}]} {
    %get3A = arith.constant 0 : index
    %get3A_0 = arith.constant 0 : index
    %get3A_1 = vector.load %arg1[%get3A, %get3A_0] : memref<2048x16xf32, #tpu.memory_space<vmem>>, vector<2048x16xf32>
    %convert_element_type3A = arith.truncf %get3A_1 : vector<2048x16xf32> to vector<2048x16xbf16>
    %get3A_2 = arith.constant 0 : index
    %get3A_3 = arith.constant 0 : index
    %get3A_4 = vector.load %arg2[%get3A_2, %get3A_3] : memref<16x128xf32, #tpu.memory_space<vmem>>, vector<16x128xf32>
    %convert_element_type3A_5 = arith.truncf %get3A_4 : vector<16x128xf32> to vector<16x128xbf16>
    %dot_general3A = arith.constant dense<0.000000e+00> : vector<2048x128xf32>
    %dot_general3A_6 = tpu.matmul %convert_element_type3A, %convert_element_type3A_5, %dot_general3A {dimension_numbers = #tpu.dot_dimension_numbers<[1], [0], [0], [1], [0, 0, 1, 1], [], []>, transpose_lhs_hint = false} : vector<2048x16xbf16>, vector<16x128xbf16>, vector<2048x128xf32> -> vector<2048x128xf32>
    %get3A_7 = arith.constant 0 : index
    %get3A_8 = arith.constant 0 : index
    %get3A_9 = vector.load %arg3[%get3A_7, %get3A_8] : memref<1x128xf32, #tpu.memory_space<vmem>>, vector<1x128xf32>
    %add3A = vector.broadcast %get3A_9 : vector<1x128xf32> to vector<2048x128xf32>
    %add3A_10 = arith.addf %dot_general3A_6, %add3A : vector<2048x128xf32>
    %logistic3A = arith.negf %add3A_10 : vector<2048x128xf32>
    %logistic3A_11 = math.exp %logistic3A : vector<2048x128xf32>
    %logistic3A_12 = arith.constant 1.000000e+00 : f32
    %logistic3A_13 = vector.broadcast %logistic3A_12 : f32 to vector<2048x128xf32>
    %logistic3A_14 = arith.addf %logistic3A_13, %logistic3A_11 : vector<2048x128xf32>
    %logistic3A_15 = arith.divf %logistic3A_13, %logistic3A_14 : vector<2048x128xf32>
    %swap3A = arith.constant 0 : index
    %swap3A_16 = arith.constant 0 : index
    %swap3A_17 = vector.load %arg4[%swap3A, %swap3A_16] : memref<2048x128xf32, #tpu.memory_space<vmem>>, vector<2048x128xf32>
    tpu.vector_store %arg4[%swap3A, %swap3A_16], %logistic3A_15 {strides = array<i32>} : memref<2048x128xf32, #tpu.memory_space<vmem>>, vector<2048x128xf32>,
    return
  }
  func.func @transform_0(%arg0: i32) -> (i32, i32) {
    %min3A = arith.constant 78 : i32
    %min3A_0 = arith.minsi %arg0, %min3A : i32
    %c0_i32 = arith.constant 0 : i32
    %c0_i32_1 = arith.constant 0 : i32
    return %min3A_0, %c0_i32 : i32, i32
  }
  func.func @transform_1(%arg0: i32) -> (i32, i32) {
    %c0_i32 = arith.constant 0 : i32
    %c0_i32_0 = arith.constant 0 : i32
    %c0_i32_1 = arith.constant 0 : i32
    return %c0_i32, %c0_i32_0 : i32, i32
  }
  func.func @transform_2(%arg0: i32) -> (i32, i32) {
    %c0_i32 = arith.constant 0 : i32
    %c0_i32_0 = arith.constant 0 : i32
    %c0_i32_1 = arith.constant 0 : i32
    return %c0_i32, %c0_i32_0 : i32, i32
  }
  func.func @transform_3(%arg0: i32) -> (i32, i32) {
    %c0_i32 = arith.constant 0 : i32
    %c0_i32_0 = arith.constant 0 : i32
    return %arg0, %c0_i32 : i32, i32
  }
}

module attributes {stable_mosaic.version = 14 : i64} {
  func.func @_lin_body(%arg0: i32, %arg1: memref<1000x256xf32, #tpu.memory_space<vmem>>, %arg2: memref<256x128xf32, #tpu.memory_space<vmem>>, %arg3: memref<1x128xf32, #tpu.memory_space<vmem>>, %arg4: memref<1000x128xf32, #tpu.memory_space<vmem>>) attributes {dimension_semantics = [#tpu.dimension_semantics<arbitrary>], iteration_bounds = array<i64: 10>, scalar_prefetch = 0 : i64, scratch_operands = 0 : i64, tpu.core_type = #tpu.core_type<tc>, window_params = [{transform_indices = @transform_0, window_bounds = array<i64: 1000, 256>}, {pipeline_mode = #tpu.pipeline_mode<synchronous>, transform_indices = @transform_1, window_bounds = array<i64: 256, 128>}, {pipeline_mode = #tpu.pipeline_mode<synchronous>, transform_indices = @transform_2, window_bounds = array<i64: 1, 128>}, {transform_indices = @transform_3, window_bounds = array<i64: 1000, 128>}]} {
    %get3A = arith.constant 0 : index
    %get3A_0 = arith.constant 0 : index
    %get3A_1 = vector.load %arg1[%get3A, %get3A_0] : memref<1000x256xf32, #tpu.memory_space<vmem>>, vector<1000x256xf32>
    %get3A_2 = arith.constant 0 : index
    %get3A_3 = arith.constant 0 : index
    %get3A_4 = vector.load %arg2[%get3A_2, %get3A_3] : memref<256x128xf32, #tpu.memory_space<vmem>>, vector<256x128xf32>
    %dot_general3A = arith.constant dense<0.000000e+00> : vector<1000x128xf32>
    %dot_general3A_5 = tpu.matmul %get3A_1, %get3A_4, %dot_general3A {dimension_numbers = #tpu.dot_dimension_numbers<[1], [0], [0], [1], [0, 0, 1, 1], [], []>, transpose_lhs_hint = false} : vector<1000x256xf32>, vector<256x128xf32>, vector<1000x128xf32> -> vector<1000x128xf32>
    %get3A_6 = arith.constant 0 : index
    %get3A_7 = arith.constant 0 : index
    %get3A_8 = vector.load %arg3[%get3A_6, %get3A_7] : memref<1x128xf32, #tpu.memory_space<vmem>>, vector<1x128xf32>
    %add3A = vector.broadcast %get3A_8 : vector<1x128xf32> to vector<1000x128xf32>
    %add3A_9 = arith.addf %dot_general3A_5, %add3A : vector<1000x128xf32>
    %swap3A = arith.constant 0 : index
    %swap3A_10 = arith.constant 0 : index
    %swap3A_11 = vector.load %arg4[%swap3A, %swap3A_10] : memref<1000x128xf32, #tpu.memory_space<vmem>>, vector<1000x128xf32>
    tpu.vector_store %arg4[%swap3A, %swap3A_10], %add3A_9 {strides = array<i32>} : memref<1000x128xf32, #tpu.memory_space<vmem>>, vector<1000x128xf32>,
    return
  }
  func.func @transform_0(%arg0: i32) -> (i32, i32) {
    %c0_i32 = arith.constant 0 : i32
    %c0_i32_0 = arith.constant 0 : i32
    return %arg0, %c0_i32 : i32, i32
  }
  func.func @transform_1(%arg0: i32) -> (i32, i32) {
    %c0_i32 = arith.constant 0 : i32
    %c0_i32_0 = arith.constant 0 : i32
    %c0_i32_1 = arith.constant 0 : i32
    return %c0_i32, %c0_i32_0 : i32, i32
  }
  func.func @transform_2(%arg0: i32) -> (i32, i32) {
    %c0_i32 = arith.constant 0 : i32
    %c0_i32_0 = arith.constant 0 : i32
    %c0_i32_1 = arith.constant 0 : i32
    return %c0_i32, %c0_i32_0 : i32, i32
  }
  func.func @transform_3(%arg0: i32) -> (i32, i32) {
    %c0_i32 = arith.constant 0 : i32
    %c0_i32_0 = arith.constant 0 : i32
    return %arg0, %c0_i32 : i32, i32
  }
}

module attributes {stable_mosaic.version = 14 : i64} {
  func.func @_layer2_body(%arg0: i32, %arg1: memref<1000x128xf32, #tpu.memory_space<vmem>>, %arg2: memref<1000x128xf32, #tpu.memory_space<vmem>>, %arg3: memref<1000x128xf32, #tpu.memory_space<vmem>>, %arg4: memref<128x128xf32, #tpu.memory_space<vmem>>, %arg5: memref<1x128xf32, #tpu.memory_space<vmem>>, %arg6: memref<1000x128xf32, #tpu.memory_space<vmem>>) attributes {dimension_semantics = [#tpu.dimension_semantics<arbitrary>], iteration_bounds = array<i64: 10>, scalar_prefetch = 0 : i64, scratch_operands = 0 : i64, tpu.core_type = #tpu.core_type<tc>, window_params = [{transform_indices = @transform_0, window_bounds = array<i64: 1000, 128>}, {transform_indices = @transform_1, window_bounds = array<i64: 1000, 128>}, {transform_indices = @transform_2, window_bounds = array<i64: 1000, 128>}, {pipeline_mode = #tpu.pipeline_mode<synchronous>, transform_indices = @transform_3, window_bounds = array<i64: 128, 128>}, {pipeline_mode = #tpu.pipeline_mode<synchronous>, transform_indices = @transform_4, window_bounds = array<i64: 1, 128>}, {transform_indices = @transform_5, window_bounds = array<i64: 1000, 128>}]} {
    %get3A = arith.constant 0 : index
    %get3A_0 = arith.constant 0 : index
    %get3A_1 = vector.load %arg1[%get3A, %get3A_0] : memref<1000x128xf32, #tpu.memory_space<vmem>>, vector<1000x128xf32>
    %get3A_2 = arith.constant 0 : index
    %get3A_3 = arith.constant 0 : index
    %get3A_4 = vector.load %arg2[%get3A_2, %get3A_3] : memref<1000x128xf32, #tpu.memory_space<vmem>>, vector<1000x128xf32>
    %add3A = arith.addf %get3A_1, %get3A_4 : vector<1000x128xf32>
    %get3A_5 = arith.constant 0 : index
    %get3A_6 = arith.constant 0 : index
    %get3A_7 = vector.load %arg3[%get3A_5, %get3A_6] : memref<1000x128xf32, #tpu.memory_space<vmem>>, vector<1000x128xf32>
    %add3A_8 = arith.addf %add3A, %get3A_7 : vector<1000x128xf32>
    %max3A = arith.constant 0.000000e+00 : f32
    %max3A_9 = vector.broadcast %max3A : f32 to vector<1000x128xf32>
    %max3A_10 = arith.maximumf %add3A_8, %max3A_9 : vector<1000x128xf32>
    %get3A_11 = arith.constant 0 : index
    %get3A_12 = arith.constant 0 : index
    %get3A_13 = vector.load %arg4[%get3A_11, %get3A_12] : memref<128x128xf32, #tpu.memory_space<vmem>>, vector<128x128xf32>
    %dot_general3A = arith.constant dense<0.000000e+00> : vector<1000x128xf32>
    %dot_general3A_14 = tpu.matmul %max3A_10, %get3A_13, %dot_general3A {dimension_numbers = #tpu.dot_dimension_numbers<[1], [0], [0], [1], [0, 0, 1, 1], [], []>, transpose_lhs_hint = false} : vector<1000x128xf32>, vector<128x128xf32>, vector<1000x128xf32> -> vector<1000x128xf32>
    %get3A_15 = arith.constant 0 : index
    %get3A_16 = arith.constant 0 : index
    %get3A_17 = vector.load %arg5[%get3A_15, %get3A_16] : memref<1x128xf32, #tpu.memory_space<vmem>>, vector<1x128xf32>
    %add3A_18 = vector.broadcast %get3A_17 : vector<1x128xf32> to vector<1000x128xf32>
    %add3A_19 = arith.addf %dot_general3A_14, %add3A_18 : vector<1000x128xf32>
    %swap3A = arith.constant 0 : index
    %swap3A_20 = arith.constant 0 : index
    %swap3A_21 = vector.load %arg6[%swap3A, %swap3A_20] : memref<1000x128xf32, #tpu.memory_space<vmem>>, vector<1000x128xf32>
    tpu.vector_store %arg6[%swap3A, %swap3A_20], %add3A_19 {strides = array<i32>} : memref<1000x128xf32, #tpu.memory_space<vmem>>, vector<1000x128xf32>,
    return
  }
  func.func @transform_0(%arg0: i32) -> (i32, i32) {
    %c0_i32 = arith.constant 0 : i32
    %c0_i32_0 = arith.constant 0 : i32
    return %arg0, %c0_i32 : i32, i32
  }
  func.func @transform_1(%arg0: i32) -> (i32, i32) {
    %c0_i32 = arith.constant 0 : i32
    %c0_i32_0 = arith.constant 0 : i32
    return %arg0, %c0_i32 : i32, i32
  }
  func.func @transform_2(%arg0: i32) -> (i32, i32) {
    %c0_i32 = arith.constant 0 : i32
    %c0_i32_0 = arith.constant 0 : i32
    return %arg0, %c0_i32 : i32, i32
  }
  func.func @transform_3(%arg0: i32) -> (i32, i32) {
    %c0_i32 = arith.constant 0 : i32
    %c0_i32_0 = arith.constant 0 : i32
    %c0_i32_1 = arith.constant 0 : i32
    return %c0_i32, %c0_i32_0 : i32, i32
  }
  func.func @transform_4(%arg0: i32) -> (i32, i32) {
    %c0_i32 = arith.constant 0 : i32
    %c0_i32_0 = arith.constant 0 : i32
    %c0_i32_1 = arith.constant 0 : i32
    return %c0_i32, %c0_i32_0 : i32, i32
  }
  func.func @transform_5(%arg0: i32) -> (i32, i32) {
    %c0_i32 = arith.constant 0 : i32
    %c0_i32_0 = arith.constant 0 : i32
    return %arg0, %c0_i32 : i32, i32
  }
}

module attributes {stable_mosaic.version = 14 : i64} {
  func.func @_final_body(%arg0: i32, %arg1: memref<1000x128xf32, #tpu.memory_space<vmem>>, %arg2: memref<1000x128xf32, #tpu.memory_space<vmem>>, %arg3: memref<1000x128xf32, #tpu.memory_space<vmem>>, %arg4: memref<1000x40xf32, #tpu.memory_space<vmem>>) attributes {dimension_semantics = [#tpu.dimension_semantics<arbitrary>], iteration_bounds = array<i64: 10>, scalar_prefetch = 0 : i64, scratch_operands = 0 : i64, tpu.core_type = #tpu.core_type<tc>, window_params = [{transform_indices = @transform_0, window_bounds = array<i64: 1000, 128>}, {transform_indices = @transform_1, window_bounds = array<i64: 1000, 128>}, {transform_indices = @transform_2, window_bounds = array<i64: 1000, 128>}, {transform_indices = @transform_3, window_bounds = array<i64: 1000, 40>}]} {
    %get3A = arith.constant 0 : index
    %get3A_0 = arith.constant 0 : index
    %get3A_1 = vector.load %arg1[%get3A, %get3A_0] : memref<1000x128xf32, #tpu.memory_space<vmem>>, vector<1000x128xf32>
    %get3A_2 = arith.constant 0 : index
    %get3A_3 = arith.constant 0 : index
    %get3A_4 = vector.load %arg2[%get3A_2, %get3A_3] : memref<1000x128xf32, #tpu.memory_space<vmem>>, vector<1000x128xf32>
    %add3A = arith.addf %get3A_1, %get3A_4 : vector<1000x128xf32>
    %get3A_5 = arith.constant 0 : index
    %get3A_6 = arith.constant 0 : index
    %get3A_7 = vector.load %arg3[%get3A_5, %get3A_6] : memref<1000x128xf32, #tpu.memory_space<vmem>>, vector<1000x128xf32>
    %add3A_8 = arith.addf %add3A, %get3A_7 : vector<1000x128xf32>
    %iota3A = tpu.iota {dimensions = array<i32: 1>} : vector<1000x128xi32>
    %lt3A = arith.constant 40 : i32
    %lt3A_9 = vector.broadcast %lt3A : i32 to vector<1000x128xi32>
    %lt3A_10 = arith.cmpi slt, %iota3A, %lt3A_9 : vector<1000x128xi32>
    %jit3A = arith.constant -1.000000e+30 : f32
    %broadcast_in_dim3A = vector.broadcast %jit3A : f32 to vector<1000x128xf32>
    %select_n3A = arith.select %lt3A_10, %add3A_8, %broadcast_in_dim3A : vector<1000x128xi1>, vector<1000x128xf32>
    %reduce_max3A = arith.constant dense<0xFF800000> : vector<1000xf32>
    %reduce_max3A_11 = vector.multi_reduction <maximumf>, %select_n3A, %reduce_max3A [1] : vector<1000x128xf32> to vector<1000xf32>
    %broadcast_in_dim3A_12 = vector.shape_cast %reduce_max3A_11 : vector<1000xf32> to vector<1000x1xf32>
    %sub3A = vector.broadcast %broadcast_in_dim3A_12 : vector<1000x1xf32> to vector<1000x128xf32>
    %sub3A_13 = arith.subf %select_n3A, %sub3A : vector<1000x128xf32>
    %exp3A = math.exp %sub3A_13 : vector<1000x128xf32>
    %reduce_sum3A = arith.constant dense<0.000000e+00> : vector<1000xf32>
    %reduce_sum3A_14 = vector.multi_reduction <add>, %exp3A, %reduce_sum3A [1] : vector<1000x128xf32> to vector<1000xf32>
    %broadcast_in_dim3A_15 = vector.shape_cast %reduce_sum3A_14 : vector<1000xf32> to vector<1000x1xf32>
    %log3A = math.log %broadcast_in_dim3A_15 : vector<1000x1xf32>
    %add3A_16 = arith.addf %log3A, %broadcast_in_dim3A_12 : vector<1000x1xf32>
    %sub3A_17 = vector.broadcast %add3A_16 : vector<1000x1xf32> to vector<1000x128xf32>
    %sub3A_18 = arith.subf %add3A_8, %sub3A_17 : vector<1000x128xf32>
    %slice3A = vector.extract_strided_slice %sub3A_18 {offsets = [0, 0], sizes = [1000, 40], strides = [1, 1]} : vector<1000x128xf32> to vector<1000x40xf32>
    %swap3A = arith.constant 0 : index
    %swap3A_19 = arith.constant 0 : index
    %swap3A_20 = vector.load %arg4[%swap3A, %swap3A_19] : memref<1000x40xf32, #tpu.memory_space<vmem>>, vector<1000x40xf32>
    tpu.vector_store %arg4[%swap3A, %swap3A_19], %slice3A {strides = array<i32>} : memref<1000x40xf32, #tpu.memory_space<vmem>>, vector<1000x40xf32>,
    return
  }
  func.func @transform_0(%arg0: i32) -> (i32, i32) {
    %c0_i32 = arith.constant 0 : i32
    %c0_i32_0 = arith.constant 0 : i32
    return %arg0, %c0_i32 : i32, i32
  }
  func.func @transform_1(%arg0: i32) -> (i32, i32) {
    %c0_i32 = arith.constant 0 : i32
    %c0_i32_0 = arith.constant 0 : i32
    return %arg0, %c0_i32 : i32, i32
  }
  func.func @transform_2(%arg0: i32) -> (i32, i32) {
    %c0_i32 = arith.constant 0 : i32
    %c0_i32_0 = arith.constant 0 : i32
    return %arg0, %c0_i32 : i32, i32
  }
  func.func @transform_3(%arg0: i32) -> (i32, i32) {
    %c0_i32 = arith.constant 0 : i32
    %c0_i32_0 = arith.constant 0 : i32
    return %arg0, %c0_i32 : i32, i32
  }
}

</mosaic_0001>

<sc_bundles>
// kernel: kernel.12.cloned.1.call-start
scs
__scs_entry_jumppad:
0x0: {  	(pc) =	sbr.rel $0x88, $3  }
0x1: {  	(tag) =	ssettag $0x0;
	lr =	simm.s32 $0x1  }
0x2: {  	[smem:$0x3F96] =	sst lr;
	_ =	strace $0xD0000000  }
0x3: {  	_ = 	snop  }
0x4: {  	_ = 	snop  }
0x5: {  	_ = 	snop  }
0x6: {  	_ = 	snop  }
0x7: {  	_ = 	snop  }
__scs_overlays_trampoline_lowered:
0x8: {  	[smem:$0x3FA5] =	sst s0  }
0x9: {  	[smem:$0x3FA6] =	sst s1  }
0xa: {  	[smem:$0x3FA7] =	sst s2  }
0xb: {  	[smem:$0x3FA8] =	sst s3  }
0xc: {  	[smem:$0x3FA9] =	sst s4  }
0xd: {  	[smem:$0x3FAA] =	sst s5  }
0xe: {  	[smem:$0x3FAB] =	sst s6  }
0xf: {  	[smem:$0x3FAC] =	sst s7  }
0x10: {  	[smem:$0x3FAD] =	sst s8  }
0x11: {  	[smem:$0x3FAE] =	sst s9;
	s0 =	simm.s32 @!p0 $0x0  }
0x12: {  	s1 =	sld [smem:$0x3F94];
	s0 =	simm.s32 @p0 $0x1  }
0x13: {  	[smem:$0x3FAF] =	sst s0;
	s0 =	simm.s32 @!p1 $0x0  }
0x14: {  	s2 =	sld [smem:$0x3F93];
	s0 =	simm.s32 @p1 $0x1  }
0x15: {  	[smem:$0x3FB0] =	sst s0;
	s0 =	simm.s32 @!p2 $0x0  }
0x16: {  	s3 =	sld [smem:$0x3FDB];
	s0 =	simm.s32 @p2 $0x1  }
0x17: {  	s4 =	simm.s32 $0x1BF5;
	[smem:$0x3FB2] =	sst s0  }
0x18: {  	s0 =	sld [smem:$0x3F95];
	_ =	swait.ge [sflag:s4], $0x0  }
0x19: {  	s7 =	sld [smem:$0x3F96]  }
0x1a: {  	s8 =	sadd.s32 $0xFFFFE003, lr  }
0x1b: {  	s9 =	sadd.s32 $0xFFFFFEF7, lr;
	s5 =	simm.s32 $0xFFFFFFFF;
	p2 =	slt.u32 s8, $0xFFFFF086  }
0x1c: {  	p1 =	slt.u32 s9, $0xF7A;
	s5 =	simm.s32 @!p2 $0x0  }
0x1d: {  	s5 =	simm.s32 @p1 $0x1;
	p0 =	seq.s32 s7, s2  }
0x1e: {  	s7 =	smul.u32 @!p0 $0xF7A, s2;
	p2 =	seq.s32 @!p0 s5, $0x0  }
0x1f: {  	s9 =	smul.u32 $0xF7A, s1;
	s8 =	simm.s32 @!p0 $0x1BF5;
	p2 =	por !p2, p0  }
0x20: {  	[sflag:s8] =	ssyncset.s32 @!p0 $0xFFFFF086;
	s6 =	sadd.s32 @!p0 s3, s7;
	s7 =	simm.s32 @!p0 $0x108  }
0x21: {  	s3 =	sadd.s32 s3, s9;
	s6 =	sadd.s32 @!p0 $0x88, s6;
	s7 =	simm.s32 @p2 $0x1082  }
0x22: {  	[simem:s7], [sflag:s8] =	dma.local @!p0 [hbm:s6], $0xF7A  }
0x23: {  	s9 =	sor.u32 $0xD0000000, s2;
	s6 =	simm.s32 $0x108;
	_ =	swait.ge @!p0 [sflag:s8], $0x0  }
0x24: {  	s3 =	sadd.s32 $0x88, s3;
	s6 =	simm.s32 @!p1 $0x1082;
	[sflag:s4] =	ssyncset.s32 $0xFFFFF086  }
0x25: {  	[simem:s6], [sflag:s4] =	dma.local [hbm:s3], $0xF7A  }
0x26: {  	[smem:$0x3F96] =	sst s1;
	(tag) =	ssettag s2;
	_ =	strace s9  }
0x27: {  	s1 =	sld [smem:$0x3FA6]  }
0x28: {  	s2 =	sld [smem:$0x3FA7]  }
0x29: {  	s4 =	sld [smem:$0x3FA9]  }
0x2a: {  	p0 =	seq.s32 s5, $0x0;
	s5 =	sld [smem:$0x3FAA]  }
0x2b: {  	s6 =	sld [smem:$0x3FAB]  }
0x2c: {  	s7 =	sld [smem:$0x3FAC]  }
0x2d: {  	s3 =	simm.s32 $0x108;
	s8 =	sld [smem:$0x3FAD]  }
0x2e: {  	s3 =	simm.s32 @!p0 $0x1082;
	s9 =	sld [smem:$0x3FAE]  }
0x2f: {  	lr =	sadd.s32 s0, s3;
	s0 =	sld [smem:$0x3FA5]  }
0x30: {  	s3 =	sld [smem:$0x3FA8]  }
0x31: {  	[smem:$0x3FB1] =	sst s10  }
0x32: {  	s10 =	sld [smem:$0x3FAF];
	_ =	sdelay $0x3  }
0x33: {  	p0 =	seq.s32 s10, $0x1;
	s10 =	sld [smem:$0x3FB1];
	_ =	sdelay $0x3  }
0x34: {  	[smem:$0x3FB1] =	sst s10  }
0x35: {  	s10 =	sld [smem:$0x3FB0];
	_ =	sdelay $0x3  }
0x36: {  	p1 =	seq.s32 s10, $0x1;
	s10 =	sld [smem:$0x3FB1];
	_ =	sdelay $0x3  }
0x37: {  	[smem:$0x3FB1] =	sst s10  }
0x38: {  	s10 =	sld [smem:$0x3FB2]  }
0x39: {  	_ = 	snop;
	(pc) =	sbr.ind lr, $3  }
0x3a: {  	_ = 	snop  }
0x3b: {  	_ = 	snop  }
0x3c: {  	p2 =	seq.s32 s10, $0x1;
	s10 =	sld [smem:$0x3FB1]  }
0x3d: {  	_ =	shalt  }
0x3e: {  	_ =	shalt  }
0x3f: {  	_ =	shalt  }
0x40: {  	_ =	shalt  }
0x41: {  	_ =	shalt  }
0x42: {  	_ =	shalt  }
0x43: {  	_ =	shalt  }
0x44: {  	_ =	shalt  }
0x45: {  	_ =	shalt  }
0x46: {  	_ =	shalt  }
0x47: {  	_ =	shalt  }
0x48: {  	_ =	shalt  }
0x49: {  	_ =	shalt  }
0x4a: {  	_ =	shalt  }
0x4b: {  	_ =	shalt  }
0x4c: {  	_ =	shalt  }
0x4d: {  	_ =	shalt  }
0x4e: {  	_ =	shalt  }
0x4f: {  	_ =	shalt  }
0x50: {  	_ =	shalt  }
0x51: {  	_ =	shalt  }
0x52: {  	_ =	shalt  }
0x53: {  	_ =	shalt  }
0x54: {  	_ =	shalt  }
0x55: {  	_ =	shalt  }
0x56: {  	_ =	shalt  }
0x57: {  	_ =	shalt  }
0x58: {  	_ =	shalt  }
0x59: {  	_ =	shalt  }
0x5a: {  	_ =	shalt  }
0x5b: {  	_ =	shalt  }
0x5c: {  	_ =	shalt  }
0x5d: {  	_ =	shalt  }
0x5e: {  	_ =	shalt  }
0x5f: {  	_ =	shalt  }
0x60: {  	_ =	shalt  }
0x61: {  	_ =	shalt  }
0x62: {  	_ =	shalt  }
0x63: {  	_ =	shalt  }
0x64: {  	_ =	shalt  }
0x65: {  	_ =	shalt  }
0x66: {  	_ =	shalt  }
0x67: {  	_ =	shalt  }
0x68: {  	_ =	shalt  }
0x69: {  	_ =	shalt  }
0x6a: {  	_ =	shalt  }
0x6b: {  	_ =	shalt  }
0x6c: {  	_ =	shalt  }
0x6d: {  	_ =	shalt  }
0x6e: {  	_ =	shalt  }
0x6f: {  	_ =	shalt  }
0x70: {  	_ =	shalt  }
0x71: {  	_ =	shalt  }
0x72: {  	_ =	shalt  }
0x73: {  	_ =	shalt  }
0x74: {  	_ =	shalt  }
0x75: {  	_ =	shalt  }
0x76: {  	_ =	shalt  }
0x77: {  	_ =	shalt  }
0x78: {  	_ =	shalt  }
0x79: {  	_ =	shalt  }
0x7a: {  	_ =	shalt  }
0x7b: {  	_ =	shalt  }
0x7c: {  	_ =	shalt  }
0x7d: {  	_ =	shalt  }
0x7e: {  	_ =	shalt  }
0x7f: {  	_ =	shalt  }
0x80: {  	_ =	shalt  }
0x81: {  	_ =	shalt  }
0x82: {  	_ =	shalt  }
0x83: {  	_ =	shalt  }
0x84: {  	_ =	shalt  }
0x85: {  	_ =	shalt  }
0x86: {  	_ =	shalt  }
0x87: {  	_ =	shalt  }
.Lfunc_end0:
.L_simem_size_0:
called_computation.1_lowered:
.L_overlay_start_0:
0x88: {  	s2 =	sld [smem:$0x3FD9]  }
0x89: {  	s3 =	sld [smem:$0x3FFE];
	_ =	sdelay $0x1  }
0x8a: {  	s1 =	srdreg.scid  }
0x8b: {  	s0 =	sand.u32 $0x1, s1  }
0x8c: {  	s17 =	sshll.u32 s0, $0xA;
	s2 =	sadd.s32 s3, s2  }
0x8d: {  	s2 =	sadd.s32 s2, s17  }
0x8e: {  	[smem:$0x3FBD] =	sst s2  }
0x8f: {  	_ = 	snop  }
0x90: {  	s2 =	sld [smem:$0x3FD0];
	(tm) =	ssettm $0x1  }
0x91: {  	s18 =	sld [smem:$0x3FFB];
	_ =	sdelay $0x3  }
0x92: {  	_ =	strace s18  }
0x93: {  	s3 =	sld [smem:$0x3FFC];
	_ =	sdelay $0x3  }
0x94: {  	_ =	strace s3  }
0x95: {  	s3 =	sld [smem:$0x3FFD];
	_ =	sdelay $0x3  }
0x96: {  	_ =	strace s3  }
0x97: {  	_ =	strace $0x8FFFFFFF  }
0x98: {  	s19 =	sld [smem:$0x3FDB];
	_ =	sdelay $0x1  }
0x99: {  	s4 =	simm.s32 $_scs_section_size  }
0x9a: {  	s5 =	simm.s32 $_size__tile_overlayer_lowered;
	s6 =	simm.s32 $_tile_overlayer_lowered  }
0x9b: {  	s22 =	simm.s32 $0x1BFF;
	s21 =	sshll.u32 s6, $0x1;
	s3 =	sadd.s32 s4, s19  }
0x9c: {  	s7 =	simm.s32 $0x0;
	s20 =	sshll.u32 s5, $0x1;
	s5 =	sadd.s32 s21, s3  }
0x9d: {  	[timem:s7], [sflag:s22] =	dma.local [hbm:s5], s20  }
0x9e: {  	_ =	swait.ge [sflag:s22], s20  }
0x9f: {  	s4 =	ssub.s32 $0x0, s20;
	[sflag:s22] =	ssyncset.done $0x0  }
0xa0: {  	[sflag:s22] =	ssyncadd.s32 s4;
	_ =	sdelay $0x1  }
0xa1: {  	s23 =	simm.s32 $0x1B8B  }
0xa2: {  	_ =	swait.ge [sflag:s23], $0x1  }
0xa3: {  	[sflag:s23] =	ssyncset.done $0x0  }
0xa4: {  	s25 =	simm.s32 $0x1B8E;
	s24 =	sld [smem:$0x3FFE];
	[sflag:s23] =	ssyncadd.s32 $0xFFFFFFFF  }
0xa5: {  	s26 =	simm.s32 $execute0_lowered;
	[smem:$0x3FD2] =	sst s25  }
0xa6: {  	s5 =	sshll.u32 s26, $0x1;
	_ =	strace $0x80000049;
	[dreg:$0x1] =	wrdreg $0xFFFFFFFF  }
0xa7: {  	s28 =	simm.s32 $_size_execute0_lowered;
	s3 =	sadd.s32 s3, s5;
	[dreg:$0x0] =	wrdreg $0x0  }
0xa8: {  	s5 =	sshll.u32 s28, $0x1;
	[dreg:$0x2] =	wrdreg s3  }
0xa9: {  	[dreg:$0x3] =	wrdreg s5  }
0xaa: {  	[dreg:$0x4] =	wrdreg $0xC0  }
0xab: {  	_ =	task [dreg:s7], $0x5FFFF  }
0xac: {  	[dreg:$0x1] =	wrdreg $0xFFFFFFFF  }
0xad: {  	[dreg:$0x0] =	wrdreg $0x60  }
0xae: {  	[dreg:$0x2] =	wrdreg s24  }
0xaf: {  	[dreg:$0x3] =	wrdreg s2  }
0xb0: {  	[dreg:$0x4] =	wrdreg $0x0  }
0xb1: {  	[dreg:$0x5] =	wrdreg $0x9  }
0xb2: {  	_ =	task.clear_ibuf [dreg:s7], $0x6FFFF;
	_ =	strace $0x90000049  }
0xb3: {  	s29 =	simm.s32 $0x9;
	_ =	strace $0x8000004B  }
0xb4: {  	_ =	swait.ge [sflag:s29], $0x1  }
0xb5: {  	[sflag:s29] =	ssyncadd.s32 $0xFFFFFFFF  }
0xb6: {  	_ =	strace $0x9000004B  }
0xb7: {  	_ =	sfence  }
0xb8: {  	s30 =	sld [smem:$0x0];
	_ =	sdelay $0x2  }
0xb9: {  	s31 =	sshll.u32 s1, $0xD;
	s1 =	sshrl.u32 s1, $0x2  }
0xba: {  	s3 =	sand.u32 $0x4000, s31;
	s1 =	sadd.s32 s1, s30  }
0xbb: {  	s0 =	sor.u32 s3, s0;
	s1 =	sshll.u32 s1, $0x11  }
0xbc: {  	s0 =	sor.u32 s1, s0  }
0xbd: {  	s0 =	sadd.s32 $0x8F2B, s0  }
0xbe: {  	[sflag:s0] =	ssyncadd.remote.s32 $0x1  }
0xbf: {  	_ =	sfence.sel $0xFFFF  }
0xc0: {  	[dreg:$0x0] =	wrdreg $0xFFFFFFFF;
	(pc) =	sbr.abs _section_cstart, $3  }
0xc1: {  	[dreg:$0x1] =	wrdreg $0xFFFFFFFF  }
0xc2: {  	_ =	task.clear_ibuf [dreg:s7], $0x2FFFF;
	_ =	strace $0x9FFFFFFF  }
0xc3: {  	(tm) =	ssettm $0x7FFFFFFF  }
tec
execute0_lowered:
.L_overlay_start_1:
0x0: {  	(tag) =	ssettag $0x1  }
0x1: {  	s0 =	rddreg [dreg:$0x0]  }
0x2: {  	s2 =	rddreg [dreg:$0x1]  }
0x3: {  	s1 =	rddreg [dreg:$0x2];
	s13 =	stileid.u32  }
0x4: {  	s3 =	srdreg.scid;
	s7 =	smul.u32 $0x14000, s13  }
0x5: {  	s8 =	sand.u32 $0x1, s3;
	s9 =	sshll.u32 s13, $0x1;
	s13 =	smul.u32 $0x50000, s13  }
0x6: {  	s3 =	simm.s32 $0x0;
	s6 =	smul.u32 $0x140000, s8;
	s9 =	sor.u32 s8, s9  }
0x7: {  	[smem:$0x7FF] =	sst s3;
	s8 =	ssub.s32 $0x2, s8;
	s25 =	smul.u32 $0x14000, s9  }
0x8: {  	s5 =	sadd.s32 $0x570200, s0;
	_ =	strace $0x8000004A;
	s11 =	sshrl.u32 s8, $0x1  }
0x9: {  	s31 =	sshrl.u32 s13, $0x2;
	s11 =	ssub.s32 s8, s11;
	s26 =	sadd.s32 s5, s25  }
0xa: {  	s14 =	sadd.s32 s31, s1;
	s11 =	smax.u32 s11, $0x1;
	[dreg:$0x5] =	wrdreg s26  }
0xb: {  	s13 =	sadd.s32 $0x2800, s14;
	[dreg:$0x9] =	wrdreg s11  }
0xc: {  	s28 =	simm.s32 $0x8;
	s15 =	sadd.s32 $0x3C00, s14;
	[dreg:$0xb] =	wrdreg s13  }
0xd: {  	s29 =	simm.s32 $0x0;
	s16 =	sadd.s32 $0x5000, s14;
	[dreg:$0xc] =	wrdreg s15  }
0xe: {  	s4 =	sadd.s32 $0x520200, s0;
	s17 =	sadd.s32 $0x6400, s14;
	[dreg:$0xd] =	wrdreg s16  }
0xf: {  	s7 =	sadd.s32 s7, s6;
	s18 =	sadd.s32 $0x7800, s14;
	[dreg:$0xe] =	wrdreg s17  }
0x10: {  	s6 =	sadd.s32 $0x51B200, s0;
	s19 =	sadd.s32 $0x8C00, s14;
	[dreg:$0xf] =	wrdreg s18  }
0x11: {  	s8 =	sshll.u32 s9, $0x7;
	s20 =	sadd.s32 $0xA000, s14;
	[dreg:$0x10] =	wrdreg s19  }
0x12: {  	s10 =	sshrl.u32 s7, $0x3;
	s21 =	sadd.s32 $0xB400, s14;
	[dreg:$0x11] =	wrdreg s20  }
0x13: {  	s7 =	smul.u32 $0x1400, s9;
	s22 =	sadd.s32 $0xC800, s14;
	[dreg:$0x12] =	wrdreg s21  }
0x14: {  	s23 =	sadd.s32 $0xDC00, s14;
	s24 =	sadd.s32 $0xF000, s14;
	[dreg:$0x13] =	wrdreg s22  }
0x15: {  	s31 =	sadd.s32 $0x12C00, s14;
	s0 =	sadd.s32 s10, s0;
	[dreg:$0x14] =	wrdreg s23  }
0x16: {  	s9 =	sadd.s32 $0x280, s26;
	[dreg:$0x15] =	wrdreg s24;
	s26 =	sadd.s32 $0x10400, s14  }
0x17: {  	[dreg:$0x18] =	wrdreg s31;
	s13 =	simm.s32 $0x28;
	s15 =	simm.s32 $0x17D00  }
0x18: {  	s17 =	simm.s32 $0x15400;
	s18 =	simm.s32 $0x16900;
	s19 =	simm.s32 $0x19100  }
0x19: {  	s20 =	simm.s32 $0x1;
	s11 =	simm.s32 $0x3;
	s21 =	simm.s32 $0x5  }
0x1a: {  	s22 =	simm.s32 $0x2;
	s12 =	sshrl.u32 s7, $0x3;
	[dreg:$0x7] =	wrdreg s9  }
0x1b: {  	s23 =	simm.s32 $0x4;
	[dreg:$0x16] =	wrdreg s26;
	s2 =	sadd.s32 s2, s12  }
0x1c: {  	s24 =	simm.s32 $0x6;
	s30 =	sadd.s32 s6, s12;
	[dreg:$0x4] =	wrdreg s2  }
0x1d: {  	s25 =	sadd.s32 $0x3000, s0;
	s12 =	sadd.s32 $0x1400, s14;
	[dreg:$0x6] =	wrdreg s30  }
0x1e: {  	s9 =	simm.s32 $0x9;
	s10 =	sadd.s32 $0x5, s30;
	[dreg:$0xa] =	wrdreg s12  }
0x1f: {  	s26 =	simm.s32 $0x7;
	s30 =	sadd.s32 $0x11800, s14;
	[dreg:$0x8] =	wrdreg s10  }
0x20: {  	v0 =	vimm.f32 $0.0e+00;
	s2 =	simm.s32 $0x15500;
	[dreg:$0x17] =	wrdreg s30;
	s10 =	simm.s32 $0x15480  }
.LBB2_1:
0x21: {  	s12 =	simm.s32 $0x70;
	s30 =	simm.s32 $0x3C0  }
.LBB2_2:
0x22: {  	p0 =	sne.s32 s30, $0x4FC0;
	[tilespmem:s12+$0x15500] =	vst v0  }
0x23: {  	[tilespmem:s12+$0x15490] =	vst v0  }
0x24: {  	[tilespmem:s12+$0x154A0] =	vst v0  }
.Ltmp0:
0x25: {  	[tilespmem:s12+$0x154B0] =	vst v0;
	(pc) =	sbr.rel @p0 .LBB2_2-.Ltmp0, $4  }
0x26: {  	[tilespmem:s12+$0x154C0] =	vst v0  }
0x27: {  	[tilespmem:s12+$0x154D0] =	vst v0  }
0x28: {  	[tilespmem:s12+$0x154E0] =	vst v0  }
0x29: {  	[tilespmem:s12+$0x154F0] =	vst v0;
	s12 =	sshra.s32 s30, $0x2;
	s30 =	sadd.s32 $0x200, s30  }
0x2a: {  	[tilespmem:s12+$0x15500] =	vst v0  }
0x2b: {  	[tilespmem:s12+$0x15490] =	vst v0  }
0x2c: {  	[tilespmem:s12+$0x154A0] =	vst v0  }
0x2d: {  	[tilespmem:s12+$0x154B0] =	vst v0  }
0x2e: {  	[tilespmem:s12+$0x154C0] =	vst v0  }
0x2f: {  	[tilespmem:s12+$0x154D0] =	vst v0  }
0x30: {  	[tilespmem:s12+$0x154E0] =	vst v0  }
0x31: {  	[tilespmem:s12+$0x154F0] =	vst v0  }
0x32: {  	[spmem:s14] =	stream.linear.scatter [tilespmem:s2], [sflag:$0x9], $0x1400, $0x38;
	[tilespmem:$0x1A500] =	vst v63  }
0x33: {  	_ =	swait.ge [sflag:s9], $0x1400  }
0x34: {  	[sflag:s9] =	ssyncset.done $0x0  }
0x35: {  	s0 =	rddreg [dreg:$0xa];
	[sflag:s9] =	ssyncadd.s32 $0xFFFFEC00  }
0x36: {  	[spmem:s0] =	stream.linear.scatter [tilespmem:s2], [sflag:$0x9], $0x1400, $0x38;
	[tilespmem:$0x1A500] =	vst v63  }
0x37: {  	_ =	swait.ge [sflag:s9], $0x1400  }
0x38: {  	[sflag:s9] =	ssyncset.done $0x0  }
0x39: {  	s16 =	rddreg [dreg:$0xb];
	[sflag:s9] =	ssyncadd.s32 $0xFFFFEC00  }
0x3a: {  	[spmem:s16] =	stream.linear.scatter [tilespmem:s2], [sflag:$0x9], $0x1400, $0x38;
	[tilespmem:$0x1A500] =	vst v63  }
0x3b: {  	_ =	swait.ge [sflag:s9], $0x1400  }
0x3c: {  	[sflag:s9] =	ssyncset.done $0x0  }
0x3d: {  	s30 =	rddreg [dreg:$0xc];
	[sflag:s9] =	ssyncadd.s32 $0xFFFFEC00  }
0x3e: {  	[spmem:s30] =	stream.linear.scatter [tilespmem:s2], [sflag:$0x9], $0x1400, $0x38;
	[tilespmem:$0x1A500] =	vst v63  }
0x3f: {  	_ =	swait.ge [sflag:s9], $0x1400  }
0x40: {  	[sflag:s9] =	ssyncset.done $0x0  }
0x41: {  	s31 =	rddreg [dreg:$0xd];
	[sflag:s9] =	ssyncadd.s32 $0xFFFFEC00  }
0x42: {  	[spmem:s31] =	stream.linear.scatter [tilespmem:s2], [sflag:$0x9], $0x1400, $0x38;
	[tilespmem:$0x1A500] =	vst v63  }
0x43: {  	_ =	swait.ge [sflag:s9], $0x1400  }
0x44: {  	[sflag:s9] =	ssyncset.done $0x0  }
0x45: {  	s12 =	rddreg [dreg:$0xe];
	[sflag:s9] =	ssyncadd.s32 $0xFFFFEC00  }
0x46: {  	[spmem:s12] =	stream.linear.scatter [tilespmem:s2], [sflag:$0x9], $0x1400, $0x38;
	[tilespmem:$0x1A500] =	vst v63  }
0x47: {  	_ =	swait.ge [sflag:s9], $0x1400  }
0x48: {  	[sflag:s9] =	ssyncset.done $0x0  }
0x49: {  	s16 =	rddreg [dreg:$0xf];
	[sflag:s9] =	ssyncadd.s32 $0xFFFFEC00  }
0x4a: {  	[spmem:s16] =	stream.linear.scatter [tilespmem:s2], [sflag:$0x9], $0x1400, $0x38;
	[tilespmem:$0x1A500] =	vst v63  }
0x4b: {  	_ =	swait.ge [sflag:s9], $0x1400  }
0x4c: {  	[sflag:s9] =	ssyncset.done $0x0  }
0x4d: {  	s30 =	rddreg [dreg:$0x10];
	[sflag:s9] =	ssyncadd.s32 $0xFFFFEC00  }
0x4e: {  	[spmem:s30] =	stream.linear.scatter [tilespmem:s2], [sflag:$0x9], $0x1400, $0x38;
	[tilespmem:$0x1A500] =	vst v63  }
0x4f: {  	_ =	swait.ge [sflag:s9], $0x1400  }
0x50: {  	[sflag:s9] =	ssyncset.done $0x0  }
0x51: {  	s31 =	rddreg [dreg:$0x11];
	[sflag:s9] =	ssyncadd.s32 $0xFFFFEC00  }
0x52: {  	[spmem:s31] =	stream.linear.scatter [tilespmem:s2], [sflag:$0x9], $0x1400, $0x38;
	[tilespmem:$0x1A500] =	vst v63  }
0x53: {  	_ =	swait.ge [sflag:s9], $0x1400  }
0x54: {  	[sflag:s9] =	ssyncset.done $0x0  }
0x55: {  	s12 =	rddreg [dreg:$0x12];
	[sflag:s9] =	ssyncadd.s32 $0xFFFFEC00  }
0x56: {  	[spmem:s12] =	stream.linear.scatter [tilespmem:s2], [sflag:$0x9], $0x1400, $0x38;
	[tilespmem:$0x1A500] =	vst v63  }
0x57: {  	_ =	swait.ge [sflag:s9], $0x1400  }
0x58: {  	[sflag:s9] =	ssyncset.done $0x0  }
0x59: {  	s16 =	rddreg [dreg:$0x13];
	[sflag:s9] =	ssyncadd.s32 $0xFFFFEC00  }
0x5a: {  	[spmem:s16] =	stream.linear.scatter [tilespmem:s2], [sflag:$0x9], $0x1400, $0x38;
	[tilespmem:$0x1A500] =	vst v63  }
0x5b: {  	_ =	swait.ge [sflag:s9], $0x1400  }
0x5c: {  	[sflag:s9] =	ssyncset.done $0x0  }
0x5d: {  	s30 =	rddreg [dreg:$0x14];
	[sflag:s9] =	ssyncadd.s32 $0xFFFFEC00  }
0x5e: {  	[spmem:s30] =	stream.linear.scatter [tilespmem:s2], [sflag:$0x9], $0x1400, $0x38;
	[tilespmem:$0x1A500] =	vst v63  }
0x5f: {  	_ =	swait.ge [sflag:s9], $0x1400  }
0x60: {  	[sflag:s9] =	ssyncset.done $0x0  }
0x61: {  	s31 =	rddreg [dreg:$0x15];
	[sflag:s9] =	ssyncadd.s32 $0xFFFFEC00  }
0x62: {  	[spmem:s31] =	stream.linear.scatter [tilespmem:s2], [sflag:$0x9], $0x1400, $0x38;
	[tilespmem:$0x1A500] =	vst v63  }
0x63: {  	_ =	swait.ge [sflag:s9], $0x1400  }
0x64: {  	[sflag:s9] =	ssyncset.done $0x0  }
0x65: {  	s12 =	rddreg [dreg:$0x16];
	[sflag:s9] =	ssyncadd.s32 $0xFFFFEC00  }
0x66: {  	[spmem:s12] =	stream.linear.scatter [tilespmem:s2], [sflag:$0x9], $0x1400, $0x38;
	[tilespmem:$0x1A500] =	vst v63  }
0x67: {  	_ =	swait.ge [sflag:s9], $0x1400  }
0x68: {  	[sflag:s9] =	ssyncset.done $0x0  }
0x69: {  	s16 =	rddreg [dreg:$0x17];
	[sflag:s9] =	ssyncadd.s32 $0xFFFFEC00  }
0x6a: {  	[spmem:s16] =	stream.linear.scatter [tilespmem:s2], [sflag:$0x9], $0x1400, $0x38;
	[tilespmem:$0x1A500] =	vst v63  }
0x6b: {  	_ =	swait.ge [sflag:s9], $0x1400  }
0x6c: {  	[sflag:s9] =	ssyncset.done $0x0  }
0x6d: {  	s30 =	rddreg [dreg:$0x18];
	[sflag:s9] =	ssyncadd.s32 $0xFFFFEC00  }
0x6e: {  	[spmem:s30] =	stream.linear.scatter [tilespmem:s2], [sflag:$0x9], $0x1400, $0x38;
	[tilespmem:$0x1A500] =	vst v63  }
0x6f: {  	_ =	swait.ge [sflag:s9], $0x1400  }
0x70: {  	s12 =	simm.s32 $0x0;
	[sflag:s9] =	ssyncset.done $0x0  }
0x71: {  	s16 =	simm.s32 $0x14000;
	s31 =	rddreg [dreg:$0x4];
	[sflag:s9] =	ssyncadd.s32 $0xFFFFEC00  }
0x72: {  	[tilespmem:s16], [sflag:$0x9] =	stream.linear.gather [hbm4b:s31+s12], $0x1400, $0x38;
	[tilespmem:$0x1A500] =	vst v63  }
0x73: {  	_ =	swait.ge [sflag:s9], $0x1400  }
0x74: {  	[sflag:s9] =	ssyncset.done $0x0  }
0x75: {  	[sflag:s9] =	ssyncadd.s32 $0xFFFFEC00  }
0x76: {  	[bflag:$0x0] =	sbarrier.arrive $0xFFFF  }
0x77: {  	[tilespmem:s2], [sflag:$0x1] =	stream.indirect.gather [hbm4b:s4+s13], $0x80, s16, s13, $0xb8;
	[tilespmem:$0x1A500] =	vst v63  }
0x78: {  	s30 =	rddreg [dreg:$0x5]  }
0x79: {  	[tilespmem:s15], [sflag:$0x3] =	stream.linear.gather [hbm4b:s30+s12], $0x1400, $0x38;
	[tilespmem:$0x1A500] =	vst v63  }
0x7a: {  	s31 =	rddreg [dreg:$0x6]  }
0x7b: {  	[tilespmem:s17], [sflag:$0x5] =	stream.linear.gather [hbm4b:s31+s12], $0x28, $0x38;
	[tilespmem:$0x1A500] =	vst v63  }
0x7c: {  	s16 =	simm.s32 $0x14028  }
0x7d: {  	[tilespmem:s18], [sflag:$0x2] =	stream.indirect.gather [hbm4b:s4+s13], $0x80, s16, s13, $0xb8;
	[tilespmem:$0x1A500] =	vst v63  }
0x7e: {  	s30 =	rddreg [dreg:$0x7]  }
0x7f: {  	[tilespmem:s19], [sflag:$0x4] =	stream.linear.gather [hbm4b:s30+s12], $0x1400, $0x38;
	[tilespmem:$0x1A500] =	vst v63  }
0x80: {  	s31 =	rddreg [dreg:$0x8]  }
0x81: {  	[tilespmem:s10], [sflag:$0x6] =	stream.linear.gather [hbm4b:s31+s12], $0x28, $0x38;
	[tilespmem:$0x1A500] =	vst v63  }
.LBB2_4:
0x82: {  	_ =	swait.ge [sflag:s20], $0x1400  }
0x83: {  	[sflag:s20] =	ssyncset.done $0x0  }
0x84: {  	[sflag:s20] =	ssyncadd.s32 $0xFFFFEC00  }
0x85: {  	_ =	swait.ge [sflag:s11], $0x1400  }
0x86: {  	[sflag:s11] =	ssyncset.done $0x0  }
0x87: {  	[sflag:s11] =	ssyncadd.s32 $0xFFFFEC00  }
0x88: {  	_ =	swait.ge [sflag:s21], $0x28  }
0x89: {  	[sflag:s21] =	ssyncset.done $0x0  }
0x8a: {  	s30 =	simm.s32 $0x0;
	[sflag:s21] =	ssyncadd.s32 $0xFFFFFFD8  }
0x8b: {  	v2 =	vld [tilespmem:s30+$0x17D00]  }
0x8c: {  	v3 =	vld [tilespmem:s30+$0x17D10]  }
0x8d: {  	v1 =	vld [tilespmem:s30+$0x17D20]  }
0x8e: {  	v4 =	vld [tilespmem:s30+$0x15500]  }
0x8f: {  	s31 =	simm.s32 $0x200;
	v5 =	vld [tilespmem:s30+$0x15510]  }
.LBB2_5:
0x90: {  	p0 =	sne.s32 s31, $0x4E00;
	v6 =	vld [tilespmem:s30+$0x15520];
	_ =	sdelay $0x1  }
0x91: {  	s0 =	sshra.s32 s31, $0x2  }
.Ltmp1:
0x92: {  	v4 =	vmul.f32 v2, v4;
	v2 =	vld [tilespmem:s0+$0x17D00];
	(pc) =	sbr.rel @p0 .LBB2_5-.Ltmp1, $4  }
0x93: {  	v5 =	vmul.f32 v3, v5;
	v3 =	vld [tilespmem:s0+$0x17D10]  }
0x94: {  	[tilespmem:s30+$0x15500] =	vst v4;
	v6 =	vmul.f32 v1, v6;
	v1 =	vld [tilespmem:s0+$0x17D20]  }
0x95: {  	v4 =	vld [tilespmem:s0+$0x15500];
	[tilespmem:s30+$0x15510] =	vst v5  }
0x96: {  	s31 =	sadd.s32 $0x200, s31;
	v5 =	vld [tilespmem:s0+$0x15510];
	[tilespmem:s30+$0x15520] =	vst v6;
	s30 =	smov.u32 s0  }
0x97: {  	v6 =	vld [tilespmem:s30+$0x15520];
	_ =	sdelay $0x2  }
0x98: {  	v2 =	vmul.f32 v2, v4  }
0x99: {  	v3 =	vmul.f32 v3, v5  }
0x9a: {  	[tilespmem:s30+$0x15500] =	vst v2;
	v1 =	vmul.f32 v1, v6  }
0x9b: {  	[tilespmem:s30+$0x15510] =	vst v3  }
0x9c: {  	[tilespmem:s30+$0x15520] =	vst v1  }
0x9d: {  	[spmem:s1] =	stream.indirect.scatter.add.f32 [tilespmem:s2], [sflag:$0x7], $0x80, s17, s13, $0xb8;
	[tilespmem:$0x1A500] =	vst v63  }
0x9e: {  	_ =	swait.ge [sflag:s22], $0x1400  }
0x9f: {  	[sflag:s22] =	ssyncset.done $0x0  }
0xa0: {  	[sflag:s22] =	ssyncadd.s32 $0xFFFFEC00  }
0xa1: {  	_ =	swait.ge [sflag:s23], $0x1400  }
0xa2: {  	[sflag:s23] =	ssyncset.done $0x0  }
0xa3: {  	[sflag:s23] =	ssyncadd.s32 $0xFFFFEC00  }
0xa4: {  	_ =	swait.ge [sflag:s24], $0x28  }
0xa5: {  	[sflag:s24] =	ssyncset.done $0x0  }
0xa6: {  	s30 =	simm.s32 $0x0;
	[sflag:s24] =	ssyncadd.s32 $0xFFFFFFD8  }
0xa7: {  	v2 =	vld [tilespmem:s30+$0x19100]  }
0xa8: {  	v3 =	vld [tilespmem:s30+$0x19110]  }
0xa9: {  	v1 =	vld [tilespmem:s30+$0x19120]  }
0xaa: {  	v4 =	vld [tilespmem:s30+$0x16900]  }
0xab: {  	s31 =	simm.s32 $0x200;
	v5 =	vld [tilespmem:s30+$0x16910]  }
.LBB2_7:
0xac: {  	p0 =	sne.s32 s31, $0x4E00;
	v6 =	vld [tilespmem:s30+$0x16920];
	_ =	sdelay $0x1  }
0xad: {  	s0 =	sshra.s32 s31, $0x2  }
.Ltmp2:
0xae: {  	v4 =	vmul.f32 v2, v4;
	v2 =	vld [tilespmem:s0+$0x19100];
	(pc) =	sbr.rel @p0 .LBB2_7-.Ltmp2, $4  }
0xaf: {  	v5 =	vmul.f32 v3, v5;
	v3 =	vld [tilespmem:s0+$0x19110]  }
0xb0: {  	[tilespmem:s30+$0x16900] =	vst v4;
	v6 =	vmul.f32 v1, v6;
	v1 =	vld [tilespmem:s0+$0x19120]  }
0xb1: {  	v4 =	vld [tilespmem:s0+$0x16900];
	[tilespmem:s30+$0x16910] =	vst v5  }
0xb2: {  	s31 =	sadd.s32 $0x200, s31;
	v5 =	vld [tilespmem:s0+$0x16910];
	[tilespmem:s30+$0x16920] =	vst v6;
	s30 =	smov.u32 s0  }
0xb3: {  	v6 =	vld [tilespmem:s30+$0x16920];
	_ =	sdelay $0x2  }
0xb4: {  	p0 =	seq.s32 s12, $0x3F;
	v2 =	vmul.f32 v2, v4  }
.Ltmp3:
0xb5: {  	v3 =	vmul.f32 v3, v5;
	(pc) =	sbr.rel @p0 .LBB2_10-.Ltmp3, $4  }
0xb6: {  	[tilespmem:s30+$0x16900] =	vst v2;
	v1 =	vmul.f32 v1, v6  }
0xb7: {  	[tilespmem:s30+$0x16910] =	vst v3  }
0xb8: {  	[tilespmem:s30+$0x16920] =	vst v1  }
0xb9: {  	[spmem:s1] =	stream.indirect.scatter.add.f32 [tilespmem:s18], [sflag:$0x8], $0x80, s10, s13, $0xb8;
	[tilespmem:$0x1A500] =	vst v63  }
0xba: {  	s0 =	sshll.u32 s12, $0x1  }
0xbb: {  	s30 =	sadd.s32 $0x2, s0  }
0xbc: {  	_ =	swait.ge [sflag:s26], $0x1400;
	s31 =	smul.u32 $0x28, s30  }
0xbd: {  	[sflag:s26] =	ssyncset.done $0x0;
	s30 =	sadd.s32 s8, s30  }
0xbe: {  	[sflag:s26] =	ssyncadd.s32 $0xFFFFEC00;
	s30 =	smul.u32 $0x280, s30;
	s16 =	sadd.s32 $0x14000, s31  }
0xbf: {  	[tilespmem:s2], [sflag:$0x1] =	stream.indirect.gather [hbm4b:s4+s13], $0x80, s16, s13, $0xb8;
	[tilespmem:$0x1A500] =	vst v63  }
0xc0: {  	s30 =	sadd.s32 s5, s30  }
0xc1: {  	[tilespmem:s15], [sflag:$0x3] =	stream.linear.gather [hbm4b:s30+s3], $0x1400, $0x38;
	[tilespmem:$0x1A500] =	vst v63  }
0xc2: {  	s30 =	sadd.s32 s7, s31  }
0xc3: {  	s0 =	sadd.s32 s8, s0;
	s16 =	sshrl.u32 s30, $0x3  }
0xc4: {  	s0 =	smul.u32 $0x280, s0;
	s16 =	sadd.s32 s6, s16  }
0xc5: {  	[tilespmem:s17], [sflag:$0x5] =	stream.linear.gather [hbm4b:s16+s3], $0x28, $0x38;
	[tilespmem:$0x1A500] =	vst v63  }
0xc6: {  	s16 =	smul.u32 $0x50, s12;
	_ =	swait.ge [sflag:s28], $0x1400  }
0xc7: {  	s0 =	sadd.s32 s5, s0;
	[sflag:s28] =	ssyncset.done $0x0  }
0xc8: {  	s31 =	sadd.s32 $0x14078, s16;
	s16 =	sadd.s32 s7, s16;
	[sflag:s28] =	ssyncadd.s32 $0xFFFFEC00  }
0xc9: {  	[tilespmem:s18], [sflag:$0x2] =	stream.indirect.gather [hbm4b:s4+s13], $0x80, s31, s13, $0xb8;
	[tilespmem:$0x1A500] =	vst v63  }
.Ltmp4:
0xca: {  	s0 =	sadd.s32 $0x780, s0;
	s31 =	sadd.s32 $0x78, s16;
	(pc) =	sbr.rel .LBB2_4-.Ltmp4, $4  }
0xcb: {  	[tilespmem:s19], [sflag:$0x4] =	stream.linear.gather [hbm4b:s0+s3], $0x1400, $0x38;
	[tilespmem:$0x1A500] =	vst v63  }
0xcc: {  	s0 =	sshrl.u32 s31, $0x3  }
0xcd: {  	s12 =	sadd.s32 $0x1, s12;
	s0 =	sadd.s32 s6, s0  }
0xce: {  	[tilespmem:s10], [sflag:$0x6] =	stream.linear.gather [hbm4b:s0+s3], $0x28, $0x38;
	[tilespmem:$0x1A500] =	vst v63  }
.LBB2_10:
0xcf: {  	_ =	swait.ge [sflag:s26], $0x1400  }
0xd0: {  	[sflag:s26] =	ssyncset.done $0x0  }
0xd1: {  	[sflag:s26] =	ssyncadd.s32 $0xFFFFEC00  }
0xd2: {  	_ =	swait.ge [sflag:s28], $0x1400  }
0xd3: {  	s0 =	stileid.u32;
	[sflag:s28] =	ssyncset.done $0x0  }
0xd4: {  	s16 =	sadd.s32 $0x0, s25;
	s0 =	sshll.u32 s0, $0x6;
	[sflag:s28] =	ssyncadd.s32 $0xFFFFEC00  }
0xd5: {  	s12 =	sor.u32 $0x1C09, s0;
	s0 =	sshrl.u32 s14, $0x3;
	[bflag:$0x0] =	sbarrier.arrive $0xFFFF  }
0xd6: {  	[hbm:s16], [sflag:s12] =	dma.local [spmem:s0], $0x280  }
0xd7: {  	_ =	swait.ge [sflag:s9], $0x280  }
0xd8: {  	s30 =	simm.s32 $0x280;
	s31 =	rddreg [dreg:$0xa]  }
.LBB2_11:
0xd9: {  	s0 =	sadd.s32 s30, s25;
	[sflag:s9] =	ssyncset.done $0x0;
	p0 =	sne.s32 s30, $0x2580  }
.Ltmp5:
0xda: {  	s16 =	sshrl.u32 s31, $0x3;
	[sflag:s9] =	ssyncadd.s32 $0xFFFFFD80;
	(pc) =	sbr.rel @p0 .LBB2_11-.Ltmp5, $3  }
0xdb: {  	[hbm:s0], [sflag:s12] =	dma.local [spmem:s16], $0x280  }
0xdc: {  	s30 =	sadd.s32 $0x280, s30;
	_ =	sdelay $0x1  }
0xdd: {  	s31 =	sadd.s32 $0x1400, s31;
	_ =	swait.ge [sflag:s9], $0x280  }
0xde: {  	s29 =	sadd.s32 $0x1, s29;
	s0 =	rddreg [dreg:$0x9]  }
0xdf: {  	p0 =	sne.s32 s29, s0  }
.Ltmp6:
0xe0: {  	_ = 	snop;
	(pc) =	sbr.rel @p0 .LBB2_1-.Ltmp6, $3  }
0xe1: {  	_ =	sdelay $0x1  }
0xe2: {  	[sflag:s9] =	ssyncset.done $0x0  }
0xe3: {  	[sflag:s9] =	ssyncadd.s32 $0xFFFFFD80  }
0xe4: {  	_ =	sfence.sel $0x180000  }
0xe5: {  	[bflag:$0x0] =	sbarrier.arrive $0xFFFF  }
0xe6: {  	_ =	strace $0x9000004A  }
0xe7: {  	s0 =	stileid.u32;
	[bflag:$0x2] =	sbarrier.arrive $0xFFFF  }
0xe8: {  	p0 =	sne.s32 s0, $0x0;
	s0 =	rddreg [dreg:$0x3]  }
0xe9: {  	s0 =	sadd.s32 @!p0 $0x100000, s0  }
0xea: {  	[sflag:s0] =	ssyncadd.tile.s32 @!p0 $0x1;
	_ =	shalt  }
.Lfunc_end2:
_tile_overlayer_lowered:
.L_overlay_start_2:
0xeb: {  	(tag) =	ssettag $0x2  }
0xec: {  	s0 =	rddreg [dreg:$0x0];
	s2 =	stileid.u32  }
0xed: {  	s1 =	rddreg [dreg:$0x1];
	p0 =	sne.s32 s2, $0x0  }
0xee: {  	s3 =	rddreg [dreg:$0x2];
	[bflag:$0x3] =	sbarrier.arrive $0xFFFF;
	s2 =	simm.s32 @!p0 $0x1C09  }
0xef: {  	[timem:s3], [sflag:s2] =	dma.local @!p0 [hbm:s0], s1  }
0xf0: {  	s0 =	simm.s32 @!p0 $0x9  }
0xf1: {  	_ =	swait.ge @!p0 [sflag:s0], s1  }
0xf2: {  	s1 =	ssub.s32 @!p0 $0x0, s1;
	[sflag:s0] =	ssyncset.done @!p0 $0x0  }
0xf3: {  	[sflag:s0] =	ssyncadd.s32 @!p0 s1  }
0xf4: {  	[bflag:$0x3] =	sbarrier.arrive $0xFFFF  }
0xf5: {  	_ =	shalt  }

// kernel: kernel.9.cloned.1.call-start
scs
__scs_entry_jumppad:
0x0: {  	(pc) =	sbr.rel $0x88, $3  }
0x1: {  	(tag) =	ssettag $0x0;
	lr =	simm.s32 $0x1  }
0x2: {  	[smem:$0x3F96] =	sst lr;
	_ =	strace $0xD0000000  }
0x3: {  	_ = 	snop  }
0x4: {  	_ = 	snop  }
0x5: {  	_ = 	snop  }
0x6: {  	_ = 	snop  }
0x7: {  	_ = 	snop  }
__scs_overlays_trampoline_lowered:
0x8: {  	[smem:$0x3FA5] =	sst s0  }
0x9: {  	[smem:$0x3FA6] =	sst s1  }
0xa: {  	[smem:$0x3FA7] =	sst s2  }
0xb: {  	[smem:$0x3FA8] =	sst s3  }
0xc: {  	[smem:$0x3FA9] =	sst s4  }
0xd: {  	[smem:$0x3FAA] =	sst s5  }
0xe: {  	[smem:$0x3FAB] =	sst s6  }
0xf: {  	[smem:$0x3FAC] =	sst s7  }
0x10: {  	[smem:$0x3FAD] =	sst s8  }
0x11: {  	[smem:$0x3FAE] =	sst s9;
	s0 =	simm.s32 @!p0 $0x0  }
0x12: {  	s1 =	sld [smem:$0x3F94];
	s0 =	simm.s32 @p0 $0x1  }
0x13: {  	[smem:$0x3FAF] =	sst s0;
	s0 =	simm.s32 @!p1 $0x0  }
0x14: {  	s2 =	sld [smem:$0x3F93];
	s0 =	simm.s32 @p1 $0x1  }
0x15: {  	[smem:$0x3FB0] =	sst s0;
	s0 =	simm.s32 @!p2 $0x0  }
0x16: {  	s3 =	sld [smem:$0x3FDB];
	s0 =	simm.s32 @p2 $0x1  }
0x17: {  	s4 =	simm.s32 $0x1BF5;
	[smem:$0x3FB2] =	sst s0  }
0x18: {  	s0 =	sld [smem:$0x3F95];
	_ =	swait.ge [sflag:s4], $0x0  }
0x19: {  	s7 =	sld [smem:$0x3F96]  }
0x1a: {  	s8 =	sadd.s32 $0xFFFFE003, lr  }
0x1b: {  	s9 =	sadd.s32 $0xFFFFFEF7, lr;
	s5 =	simm.s32 $0xFFFFFFFF;
	p2 =	slt.u32 s8, $0xFFFFF086  }
0x1c: {  	p1 =	slt.u32 s9, $0xF7A;
	s5 =	simm.s32 @!p2 $0x0  }
0x1d: {  	s5 =	simm.s32 @p1 $0x1;
	p0 =	seq.s32 s7, s2  }
0x1e: {  	s7 =	smul.u32 @!p0 $0xF7A, s2;
	p2 =	seq.s32 @!p0 s5, $0x0  }
0x1f: {  	s9 =	smul.u32 $0xF7A, s1;
	s8 =	simm.s32 @!p0 $0x1BF5;
	p2 =	por !p2, p0  }
0x20: {  	[sflag:s8] =	ssyncset.s32 @!p0 $0xFFFFF086;
	s6 =	sadd.s32 @!p0 s3, s7;
	s7 =	simm.s32 @!p0 $0x108  }
0x21: {  	s3 =	sadd.s32 s3, s9;
	s6 =	sadd.s32 @!p0 $0x88, s6;
	s7 =	simm.s32 @p2 $0x1082  }
0x22: {  	[simem:s7], [sflag:s8] =	dma.local @!p0 [hbm:s6], $0xF7A  }
0x23: {  	s9 =	sor.u32 $0xD0000000, s2;
	s6 =	simm.s32 $0x108;
	_ =	swait.ge @!p0 [sflag:s8], $0x0  }
0x24: {  	s3 =	sadd.s32 $0x88, s3;
	s6 =	simm.s32 @!p1 $0x1082;
	[sflag:s4] =	ssyncset.s32 $0xFFFFF086  }
0x25: {  	[simem:s6], [sflag:s4] =	dma.local [hbm:s3], $0xF7A  }
0x26: {  	[smem:$0x3F96] =	sst s1;
	(tag) =	ssettag s2;
	_ =	strace s9  }
0x27: {  	s1 =	sld [smem:$0x3FA6]  }
0x28: {  	s2 =	sld [smem:$0x3FA7]  }
0x29: {  	s4 =	sld [smem:$0x3FA9]  }
0x2a: {  	p0 =	seq.s32 s5, $0x0;
	s5 =	sld [smem:$0x3FAA]  }
0x2b: {  	s6 =	sld [smem:$0x3FAB]  }
0x2c: {  	s7 =	sld [smem:$0x3FAC]  }
0x2d: {  	s3 =	simm.s32 $0x108;
	s8 =	sld [smem:$0x3FAD]  }
0x2e: {  	s3 =	simm.s32 @!p0 $0x1082;
	s9 =	sld [smem:$0x3FAE]  }
0x2f: {  	lr =	sadd.s32 s0, s3;
	s0 =	sld [smem:$0x3FA5]  }
0x30: {  	s3 =	sld [smem:$0x3FA8]  }
0x31: {  	[smem:$0x3FB1] =	sst s10  }
0x32: {  	s10 =	sld [smem:$0x3FAF];
	_ =	sdelay $0x3  }
0x33: {  	p0 =	seq.s32 s10, $0x1;
	s10 =	sld [smem:$0x3FB1];
	_ =	sdelay $0x3  }
0x34: {  	[smem:$0x3FB1] =	sst s10  }
0x35: {  	s10 =	sld [smem:$0x3FB0];
	_ =	sdelay $0x3  }
0x36: {  	p1 =	seq.s32 s10, $0x1;
	s10 =	sld [smem:$0x3FB1];
	_ =	sdelay $0x3  }
0x37: {  	[smem:$0x3FB1] =	sst s10  }
0x38: {  	s10 =	sld [smem:$0x3FB2]  }
0x39: {  	_ = 	snop;
	(pc) =	sbr.ind lr, $3  }
0x3a: {  	_ = 	snop  }
0x3b: {  	_ = 	snop  }
0x3c: {  	p2 =	seq.s32 s10, $0x1;
	s10 =	sld [smem:$0x3FB1]  }
0x3d: {  	_ =	shalt  }
0x3e: {  	_ =	shalt  }
0x3f: {  	_ =	shalt  }
0x40: {  	_ =	shalt  }
0x41: {  	_ =	shalt  }
0x42: {  	_ =	shalt  }
0x43: {  	_ =	shalt  }
0x44: {  	_ =	shalt  }
0x45: {  	_ =	shalt  }
0x46: {  	_ =	shalt  }
0x47: {  	_ =	shalt  }
0x48: {  	_ =	shalt  }
0x49: {  	_ =	shalt  }
0x4a: {  	_ =	shalt  }
0x4b: {  	_ =	shalt  }
0x4c: {  	_ =	shalt  }
0x4d: {  	_ =	shalt  }
0x4e: {  	_ =	shalt  }
0x4f: {  	_ =	shalt  }
0x50: {  	_ =	shalt  }
0x51: {  	_ =	shalt  }
0x52: {  	_ =	shalt  }
0x53: {  	_ =	shalt  }
0x54: {  	_ =	shalt  }
0x55: {  	_ =	shalt  }
0x56: {  	_ =	shalt  }
0x57: {  	_ =	shalt  }
0x58: {  	_ =	shalt  }
0x59: {  	_ =	shalt  }
0x5a: {  	_ =	shalt  }
0x5b: {  	_ =	shalt  }
0x5c: {  	_ =	shalt  }
0x5d: {  	_ =	shalt  }
0x5e: {  	_ =	shalt  }
0x5f: {  	_ =	shalt  }
0x60: {  	_ =	shalt  }
0x61: {  	_ =	shalt  }
0x62: {  	_ =	shalt  }
0x63: {  	_ =	shalt  }
0x64: {  	_ =	shalt  }
0x65: {  	_ =	shalt  }
0x66: {  	_ =	shalt  }
0x67: {  	_ =	shalt  }
0x68: {  	_ =	shalt  }
0x69: {  	_ =	shalt  }
0x6a: {  	_ =	shalt  }
0x6b: {  	_ =	shalt  }
0x6c: {  	_ =	shalt  }
0x6d: {  	_ =	shalt  }
0x6e: {  	_ =	shalt  }
0x6f: {  	_ =	shalt  }
0x70: {  	_ =	shalt  }
0x71: {  	_ =	shalt  }
0x72: {  	_ =	shalt  }
0x73: {  	_ =	shalt  }
0x74: {  	_ =	shalt  }
0x75: {  	_ =	shalt  }
0x76: {  	_ =	shalt  }
0x77: {  	_ =	shalt  }
0x78: {  	_ =	shalt  }
0x79: {  	_ =	shalt  }
0x7a: {  	_ =	shalt  }
0x7b: {  	_ =	shalt  }
0x7c: {  	_ =	shalt  }
0x7d: {  	_ =	shalt  }
0x7e: {  	_ =	shalt  }
0x7f: {  	_ =	shalt  }
0x80: {  	_ =	shalt  }
0x81: {  	_ =	shalt  }
0x82: {  	_ =	shalt  }
0x83: {  	_ =	shalt  }
0x84: {  	_ =	shalt  }
0x85: {  	_ =	shalt  }
0x86: {  	_ =	shalt  }
0x87: {  	_ =	shalt  }
.Lfunc_end0:
.L_simem_size_0:
called_computation_lowered:
.L_overlay_start_0:
0x88: {  	s2 =	sld [smem:$0x3FD9]  }
0x89: {  	s3 =	sld [smem:$0x3FFE];
	_ =	sdelay $0x1  }
0x8a: {  	s1 =	srdreg.scid  }
0x8b: {  	s0 =	sand.u32 $0x1, s1  }
0x8c: {  	s17 =	sshll.u32 s0, $0xA;
	s2 =	sadd.s32 s3, s2  }
0x8d: {  	s2 =	sadd.s32 s2, s17  }
0x8e: {  	[smem:$0x3FBD] =	sst s2  }
0x8f: {  	_ = 	snop  }
0x90: {  	s2 =	sld [smem:$0x3FD0];
	(tm) =	ssettm $0x1  }
0x91: {  	s18 =	sld [smem:$0x3FFB];
	_ =	sdelay $0x3  }
0x92: {  	_ =	strace s18  }
0x93: {  	s3 =	sld [smem:$0x3FFC];
	_ =	sdelay $0x3  }
0x94: {  	_ =	strace s3  }
0x95: {  	s3 =	sld [smem:$0x3FFD];
	_ =	sdelay $0x3  }
0x96: {  	_ =	strace s3  }
0x97: {  	_ =	strace $0x8FFFFFFF  }
0x98: {  	s19 =	sld [smem:$0x3FDB];
	_ =	sdelay $0x1  }
0x99: {  	s4 =	simm.s32 $_scs_section_size  }
0x9a: {  	s5 =	simm.s32 $_size__tile_overlayer_lowered;
	s6 =	simm.s32 $_tile_overlayer_lowered  }
0x9b: {  	s22 =	simm.s32 $0x1BFF;
	s21 =	sshll.u32 s6, $0x1;
	s3 =	sadd.s32 s4, s19  }
0x9c: {  	s7 =	simm.s32 $0x0;
	s20 =	sshll.u32 s5, $0x1;
	s5 =	sadd.s32 s21, s3  }
0x9d: {  	[timem:s7], [sflag:s22] =	dma.local [hbm:s5], s20  }
0x9e: {  	_ =	swait.ge [sflag:s22], s20  }
0x9f: {  	s4 =	ssub.s32 $0x0, s20;
	[sflag:s22] =	ssyncset.done $0x0  }
0xa0: {  	[sflag:s22] =	ssyncadd.s32 s4;
	_ =	sdelay $0x1  }
0xa1: {  	s23 =	simm.s32 $0x1B8B  }
0xa2: {  	_ =	swait.ge [sflag:s23], $0x1  }
0xa3: {  	[sflag:s23] =	ssyncset.done $0x0  }
0xa4: {  	s25 =	simm.s32 $0x1B8E;
	s24 =	sld [smem:$0x3FFE];
	[sflag:s23] =	ssyncadd.s32 $0xFFFFFFFF  }
0xa5: {  	s26 =	simm.s32 $execute0_lowered;
	[smem:$0x3FD2] =	sst s25  }
0xa6: {  	s5 =	sshll.u32 s26, $0x1;
	_ =	strace $0x80000046;
	[dreg:$0x1] =	wrdreg $0xFFFFFFFF  }
0xa7: {  	s28 =	simm.s32 $_size_execute0_lowered;
	s3 =	sadd.s32 s3, s5;
	[dreg:$0x0] =	wrdreg $0x0  }
0xa8: {  	s5 =	sshll.u32 s28, $0x1;
	[dreg:$0x2] =	wrdreg s3  }
0xa9: {  	[dreg:$0x3] =	wrdreg s5  }
0xaa: {  	[dreg:$0x4] =	wrdreg $0xC0  }
0xab: {  	_ =	task [dreg:s7], $0x5FFFF  }
0xac: {  	[dreg:$0x1] =	wrdreg $0xFFFFFFFF  }
0xad: {  	[dreg:$0x0] =	wrdreg $0x60  }
0xae: {  	[dreg:$0x2] =	wrdreg s24  }
0xaf: {  	[dreg:$0x3] =	wrdreg s2  }
0xb0: {  	[dreg:$0x4] =	wrdreg $0x0  }
0xb1: {  	[dreg:$0x5] =	wrdreg $0x9  }
0xb2: {  	_ =	task.clear_ibuf [dreg:s7], $0x6FFFF;
	_ =	strace $0x90000046  }
0xb3: {  	s29 =	simm.s32 $0x9;
	_ =	strace $0x80000048  }
0xb4: {  	_ =	swait.ge [sflag:s29], $0x1  }
0xb5: {  	[sflag:s29] =	ssyncadd.s32 $0xFFFFFFFF  }
0xb6: {  	_ =	strace $0x90000048  }
0xb7: {  	_ =	sfence  }
0xb8: {  	s30 =	sld [smem:$0x0];
	_ =	sdelay $0x2  }
0xb9: {  	s31 =	sshll.u32 s1, $0xD;
	s1 =	sshrl.u32 s1, $0x2  }
0xba: {  	s3 =	sand.u32 $0x4000, s31;
	s1 =	sadd.s32 s1, s30  }
0xbb: {  	s0 =	sor.u32 s3, s0;
	s1 =	sshll.u32 s1, $0x11  }
0xbc: {  	s0 =	sor.u32 s1, s0  }
0xbd: {  	s0 =	sadd.s32 $0x8F2B, s0  }
0xbe: {  	[sflag:s0] =	ssyncadd.remote.s32 $0x1  }
0xbf: {  	_ =	sfence.sel $0xFFFF  }
0xc0: {  	[dreg:$0x0] =	wrdreg $0xFFFFFFFF;
	(pc) =	sbr.abs _section_cstart, $3  }
0xc1: {  	[dreg:$0x1] =	wrdreg $0xFFFFFFFF  }
0xc2: {  	_ =	task.clear_ibuf [dreg:s7], $0x2FFFF;
	_ =	strace $0x9FFFFFFF  }
0xc3: {  	(tm) =	ssettm $0x7FFFFFFF  }
tec
execute0_lowered:
.L_overlay_start_1:
0x0: {  	(tag) =	ssettag $0x1  }
0x1: {  	s0 =	rddreg [dreg:$0x0]  }
0x2: {  	s3 =	srdreg.scid;
	s13 =	stileid.u32  }
0x3: {  	s8 =	sand.u32 $0x1, s3;
	s7 =	smul.u32 $0x14000, s13;
	s9 =	sshll.u32 s13, $0x1  }
0x4: {  	s2 =	rddreg [dreg:$0x1];
	s13 =	smul.u32 $0x50000, s13;
	s9 =	sor.u32 s8, s9  }
0x5: {  	s1 =	rddreg [dreg:$0x2];
	s26 =	smul.u32 $0x14000, s9  }
0x6: {  	s3 =	simm.s32 $0x0;
	s5 =	sadd.s32 $0x274000, s0;
	s31 =	sshrl.u32 s13, $0x2  }
0x7: {  	[smem:$0x7FF] =	sst s3;
	s14 =	sadd.s32 s31, s1;
	s29 =	sadd.s32 s5, s26  }
0x8: {  	_ =	strace $0x80000047;
	s13 =	sadd.s32 $0x1400, s14;
	[dreg:$0x5] =	wrdreg s29  }
0x9: {  	s28 =	simm.s32 $0x8;
	s15 =	sadd.s32 $0x2800, s14;
	[dreg:$0xa] =	wrdreg s13  }
0xa: {  	s4 =	sadd.s32 $0x4F4000, s0;
	s16 =	sadd.s32 $0x3C00, s14;
	[dreg:$0xb] =	wrdreg s15  }
0xb: {  	s6 =	smul.u32 $0x140000, s8;
	s17 =	sadd.s32 $0x5000, s14;
	[dreg:$0xc] =	wrdreg s16  }
0xc: {  	s8 =	ssub.s32 $0x2, s8;
	s18 =	sadd.s32 $0x6400, s14;
	[dreg:$0xd] =	wrdreg s17  }
0xd: {  	s11 =	sshrl.u32 s8, $0x1;
	s19 =	sadd.s32 $0x7800, s14;
	[dreg:$0xe] =	wrdreg s18  }
0xe: {  	s7 =	sadd.s32 s7, s6;
	s20 =	sadd.s32 $0x8C00, s14;
	[dreg:$0xf] =	wrdreg s19  }
0xf: {  	s6 =	sadd.s32 $0x51B200, s0;
	s21 =	sadd.s32 $0xA000, s14;
	[dreg:$0x10] =	wrdreg s20  }
0x10: {  	s11 =	ssub.s32 s8, s11;
	s22 =	sadd.s32 $0xB400, s14;
	[dreg:$0x11] =	wrdreg s21  }
0x11: {  	s8 =	sshll.u32 s9, $0x7;
	s23 =	sadd.s32 $0xC800, s14;
	[dreg:$0x12] =	wrdreg s22  }
0x12: {  	s10 =	sshrl.u32 s7, $0x3;
	s24 =	sadd.s32 $0xDC00, s14;
	[dreg:$0x13] =	wrdreg s23  }
0x13: {  	s7 =	smul.u32 $0x1400, s9;
	s26 =	sadd.s32 $0xF000, s14;
	[dreg:$0x14] =	wrdreg s24  }
0x14: {  	s31 =	sadd.s32 $0x12C00, s14;
	s0 =	sadd.s32 s10, s0;
	[dreg:$0x15] =	wrdreg s26  }
0x15: {  	s9 =	sadd.s32 $0x280, s29;
	s29 =	sadd.s32 $0x10400, s14;
	[dreg:$0x18] =	wrdreg s31  }
0x16: {  	s13 =	simm.s32 $0x28;
	s15 =	simm.s32 $0x17D00;
	s17 =	simm.s32 $0x15400  }
0x17: {  	s18 =	simm.s32 $0x16900;
	s19 =	simm.s32 $0x19100;
	s20 =	simm.s32 $0x15480  }
0x18: {  	s21 =	simm.s32 $0x1;
	s22 =	simm.s32 $0x5;
	s23 =	simm.s32 $0x4  }
0x19: {  	s24 =	simm.s32 $0x6;
	s12 =	sshrl.u32 s7, $0x3;
	[dreg:$0x7] =	wrdreg s9  }
0x1a: {  	s26 =	simm.s32 $0x7;
	[dreg:$0x16] =	wrdreg s29;
	s2 =	sadd.s32 s2, s12  }
0x1b: {  	s25 =	sadd.s32 $0x520200, s0;
	s30 =	sadd.s32 s6, s12;
	[dreg:$0x4] =	wrdreg s2  }
0x1c: {  	s9 =	simm.s32 $0x9;
	s12 =	smax.u32 s11, $0x1;
	[dreg:$0x6] =	wrdreg s30  }
0x1d: {  	s11 =	simm.s32 $0x2;
	s10 =	sadd.s32 $0x5, s30;
	[dreg:$0x9] =	wrdreg s12  }
0x1e: {  	s30 =	sadd.s32 $0x11800, s14;
	s2 =	simm.s32 $0x15500;
	[dreg:$0x8] =	wrdreg s10  }
0x1f: {  	v0 =	vimm.f32 $0.0e+00;
	s12 =	simm.s32 $0x0;
	[dreg:$0x17] =	wrdreg s30;
	s10 =	simm.s32 $0x3  }
.LBB2_1:
0x20: {  	s29 =	simm.s32 $0x70;
	s30 =	simm.s32 $0x3C0  }
.LBB2_2:
0x21: {  	p0 =	sne.s32 s30, $0x4FC0;
	[tilespmem:s29+$0x15500] =	vst v0  }
0x22: {  	[tilespmem:s29+$0x15490] =	vst v0  }
0x23: {  	[tilespmem:s29+$0x154A0] =	vst v0  }
.Ltmp0:
0x24: {  	[tilespmem:s29+$0x154B0] =	vst v0;
	(pc) =	sbr.rel @p0 .LBB2_2-.Ltmp0, $4  }
0x25: {  	[tilespmem:s29+$0x154C0] =	vst v0  }
0x26: {  	[tilespmem:s29+$0x154D0] =	vst v0  }
0x27: {  	[tilespmem:s29+$0x154E0] =	vst v0  }
0x28: {  	[tilespmem:s29+$0x154F0] =	vst v0;
	s29 =	sshra.s32 s30, $0x2;
	s30 =	sadd.s32 $0x200, s30  }
0x29: {  	[tilespmem:s29+$0x15500] =	vst v0  }
0x2a: {  	[tilespmem:s29+$0x15490] =	vst v0  }
0x2b: {  	[tilespmem:s29+$0x154A0] =	vst v0  }
0x2c: {  	[tilespmem:s29+$0x154B0] =	vst v0  }
0x2d: {  	[tilespmem:s29+$0x154C0] =	vst v0  }
0x2e: {  	[tilespmem:s29+$0x154D0] =	vst v0  }
0x2f: {  	[tilespmem:s29+$0x154E0] =	vst v0  }
0x30: {  	[tilespmem:s29+$0x154F0] =	vst v0  }
0x31: {  	[spmem:s14] =	stream.linear.scatter [tilespmem:s2], [sflag:$0x9], $0x1400, $0x38;
	[tilespmem:$0x1A500] =	vst v63  }
0x32: {  	_ =	swait.ge [sflag:s9], $0x1400  }
0x33: {  	[sflag:s9] =	ssyncset.done $0x0  }
0x34: {  	s0 =	rddreg [dreg:$0xa];
	[sflag:s9] =	ssyncadd.s32 $0xFFFFEC00  }
0x35: {  	[spmem:s0] =	stream.linear.scatter [tilespmem:s2], [sflag:$0x9], $0x1400, $0x38;
	[tilespmem:$0x1A500] =	vst v63  }
0x36: {  	_ =	swait.ge [sflag:s9], $0x1400  }
0x37: {  	[sflag:s9] =	ssyncset.done $0x0  }
0x38: {  	s16 =	rddreg [dreg:$0xb];
	[sflag:s9] =	ssyncadd.s32 $0xFFFFEC00  }
0x39: {  	[spmem:s16] =	stream.linear.scatter [tilespmem:s2], [sflag:$0x9], $0x1400, $0x38;
	[tilespmem:$0x1A500] =	vst v63  }
0x3a: {  	_ =	swait.ge [sflag:s9], $0x1400  }
0x3b: {  	[sflag:s9] =	ssyncset.done $0x0  }
0x3c: {  	s30 =	rddreg [dreg:$0xc];
	[sflag:s9] =	ssyncadd.s32 $0xFFFFEC00  }
0x3d: {  	[spmem:s30] =	stream.linear.scatter [tilespmem:s2], [sflag:$0x9], $0x1400, $0x38;
	[tilespmem:$0x1A500] =	vst v63  }
0x3e: {  	_ =	swait.ge [sflag:s9], $0x1400  }
0x3f: {  	[sflag:s9] =	ssyncset.done $0x0  }
0x40: {  	s31 =	rddreg [dreg:$0xd];
	[sflag:s9] =	ssyncadd.s32 $0xFFFFEC00  }
0x41: {  	[spmem:s31] =	stream.linear.scatter [tilespmem:s2], [sflag:$0x9], $0x1400, $0x38;
	[tilespmem:$0x1A500] =	vst v63  }
0x42: {  	_ =	swait.ge [sflag:s9], $0x1400  }
0x43: {  	[sflag:s9] =	ssyncset.done $0x0  }
0x44: {  	s16 =	rddreg [dreg:$0xe];
	[sflag:s9] =	ssyncadd.s32 $0xFFFFEC00  }
0x45: {  	[spmem:s16] =	stream.linear.scatter [tilespmem:s2], [sflag:$0x9], $0x1400, $0x38;
	[tilespmem:$0x1A500] =	vst v63  }
0x46: {  	_ =	swait.ge [sflag:s9], $0x1400  }
0x47: {  	[sflag:s9] =	ssyncset.done $0x0  }
0x48: {  	s30 =	rddreg [dreg:$0xf];
	[sflag:s9] =	ssyncadd.s32 $0xFFFFEC00  }
0x49: {  	[spmem:s30] =	stream.linear.scatter [tilespmem:s2], [sflag:$0x9], $0x1400, $0x38;
	[tilespmem:$0x1A500] =	vst v63  }
0x4a: {  	_ =	swait.ge [sflag:s9], $0x1400  }
0x4b: {  	[sflag:s9] =	ssyncset.done $0x0  }
0x4c: {  	s31 =	rddreg [dreg:$0x10];
	[sflag:s9] =	ssyncadd.s32 $0xFFFFEC00  }
0x4d: {  	[spmem:s31] =	stream.linear.scatter [tilespmem:s2], [sflag:$0x9], $0x1400, $0x38;
	[tilespmem:$0x1A500] =	vst v63  }
0x4e: {  	_ =	swait.ge [sflag:s9], $0x1400  }
0x4f: {  	[sflag:s9] =	ssyncset.done $0x0  }
0x50: {  	s16 =	rddreg [dreg:$0x11];
	[sflag:s9] =	ssyncadd.s32 $0xFFFFEC00  }
0x51: {  	[spmem:s16] =	stream.linear.scatter [tilespmem:s2], [sflag:$0x9], $0x1400, $0x38;
	[tilespmem:$0x1A500] =	vst v63  }
0x52: {  	_ =	swait.ge [sflag:s9], $0x1400  }
0x53: {  	[sflag:s9] =	ssyncset.done $0x0  }
0x54: {  	s30 =	rddreg [dreg:$0x12];
	[sflag:s9] =	ssyncadd.s32 $0xFFFFEC00  }
0x55: {  	[spmem:s30] =	stream.linear.scatter [tilespmem:s2], [sflag:$0x9], $0x1400, $0x38;
	[tilespmem:$0x1A500] =	vst v63  }
0x56: {  	_ =	swait.ge [sflag:s9], $0x1400  }
0x57: {  	[sflag:s9] =	ssyncset.done $0x0  }
0x58: {  	s31 =	rddreg [dreg:$0x13];
	[sflag:s9] =	ssyncadd.s32 $0xFFFFEC00  }
0x59: {  	[spmem:s31] =	stream.linear.scatter [tilespmem:s2], [sflag:$0x9], $0x1400, $0x38;
	[tilespmem:$0x1A500] =	vst v63  }
0x5a: {  	_ =	swait.ge [sflag:s9], $0x1400  }
0x5b: {  	[sflag:s9] =	ssyncset.done $0x0  }
0x5c: {  	s16 =	rddreg [dreg:$0x14];
	[sflag:s9] =	ssyncadd.s32 $0xFFFFEC00  }
0x5d: {  	[spmem:s16] =	stream.linear.scatter [tilespmem:s2], [sflag:$0x9], $0x1400, $0x38;
	[tilespmem:$0x1A500] =	vst v63  }
0x5e: {  	_ =	swait.ge [sflag:s9], $0x1400  }
0x5f: {  	[sflag:s9] =	ssyncset.done $0x0  }
0x60: {  	s30 =	rddreg [dreg:$0x15];
	[sflag:s9] =	ssyncadd.s32 $0xFFFFEC00  }
0x61: {  	[spmem:s30] =	stream.linear.scatter [tilespmem:s2], [sflag:$0x9], $0x1400, $0x38;
	[tilespmem:$0x1A500] =	vst v63  }
0x62: {  	_ =	swait.ge [sflag:s9], $0x1400  }
0x63: {  	[sflag:s9] =	ssyncset.done $0x0  }
0x64: {  	s31 =	rddreg [dreg:$0x16];
	[sflag:s9] =	ssyncadd.s32 $0xFFFFEC00  }
0x65: {  	[spmem:s31] =	stream.linear.scatter [tilespmem:s2], [sflag:$0x9], $0x1400, $0x38;
	[tilespmem:$0x1A500] =	vst v63  }
0x66: {  	_ =	swait.ge [sflag:s9], $0x1400  }
0x67: {  	[sflag:s9] =	ssyncset.done $0x0  }
0x68: {  	s16 =	rddreg [dreg:$0x17];
	[sflag:s9] =	ssyncadd.s32 $0xFFFFEC00  }
0x69: {  	[spmem:s16] =	stream.linear.scatter [tilespmem:s2], [sflag:$0x9], $0x1400, $0x38;
	[tilespmem:$0x1A500] =	vst v63  }
0x6a: {  	_ =	swait.ge [sflag:s9], $0x1400  }
0x6b: {  	[sflag:s9] =	ssyncset.done $0x0  }
0x6c: {  	s30 =	rddreg [dreg:$0x18];
	[sflag:s9] =	ssyncadd.s32 $0xFFFFEC00  }
0x6d: {  	[spmem:s30] =	stream.linear.scatter [tilespmem:s2], [sflag:$0x9], $0x1400, $0x38;
	[tilespmem:$0x1A500] =	vst v63  }
0x6e: {  	_ =	swait.ge [sflag:s9], $0x1400  }
0x6f: {  	s29 =	simm.s32 $0x0;
	[sflag:s9] =	ssyncset.done $0x0  }
0x70: {  	s16 =	simm.s32 $0x14000;
	s31 =	rddreg [dreg:$0x4];
	[sflag:s9] =	ssyncadd.s32 $0xFFFFEC00  }
0x71: {  	[tilespmem:s16], [sflag:$0x9] =	stream.linear.gather [hbm4b:s31+s29], $0x1400, $0x38;
	[tilespmem:$0x1A500] =	vst v63  }
0x72: {  	_ =	swait.ge [sflag:s9], $0x1400  }
0x73: {  	[sflag:s9] =	ssyncset.done $0x0  }
0x74: {  	[sflag:s9] =	ssyncadd.s32 $0xFFFFEC00  }
0x75: {  	[bflag:$0x0] =	sbarrier.arrive $0xFFFF  }
0x76: {  	[tilespmem:s2], [sflag:$0x1] =	stream.indirect.gather [hbm4b:s4+s13], $0x80, s16, s13, $0xb8;
	[tilespmem:$0x1A500] =	vst v63  }
0x77: {  	s30 =	rddreg [dreg:$0x5]  }
0x78: {  	[tilespmem:s15], [sflag:$0x3] =	stream.linear.gather [hbm4b:s30+s29], $0x1400, $0x38;
	[tilespmem:$0x1A500] =	vst v63  }
0x79: {  	s31 =	rddreg [dreg:$0x6]  }
0x7a: {  	[tilespmem:s17], [sflag:$0x5] =	stream.linear.gather [hbm4b:s31+s29], $0x28, $0x38;
	[tilespmem:$0x1A500] =	vst v63  }
0x7b: {  	s16 =	simm.s32 $0x14028  }
0x7c: {  	[tilespmem:s18], [sflag:$0x2] =	stream.indirect.gather [hbm4b:s4+s13], $0x80, s16, s13, $0xb8;
	[tilespmem:$0x1A500] =	vst v63  }
0x7d: {  	s30 =	rddreg [dreg:$0x7]  }
0x7e: {  	[tilespmem:s19], [sflag:$0x4] =	stream.linear.gather [hbm4b:s30+s29], $0x1400, $0x38;
	[tilespmem:$0x1A500] =	vst v63  }
0x7f: {  	s31 =	rddreg [dreg:$0x8]  }
0x80: {  	[tilespmem:s20], [sflag:$0x6] =	stream.linear.gather [hbm4b:s31+s29], $0x28, $0x38;
	[tilespmem:$0x1A500] =	vst v63  }
.LBB2_4:
0x81: {  	_ =	swait.ge [sflag:s21], $0x1400  }
0x82: {  	[sflag:s21] =	ssyncset.done $0x0  }
0x83: {  	[sflag:s21] =	ssyncadd.s32 $0xFFFFEC00  }
0x84: {  	_ =	swait.ge [sflag:s10], $0x1400  }
0x85: {  	[sflag:s10] =	ssyncset.done $0x0  }
0x86: {  	[sflag:s10] =	ssyncadd.s32 $0xFFFFEC00  }
0x87: {  	_ =	swait.ge [sflag:s22], $0x28  }
0x88: {  	[sflag:s22] =	ssyncset.done $0x0  }
0x89: {  	s30 =	simm.s32 $0x0;
	[sflag:s22] =	ssyncadd.s32 $0xFFFFFFD8  }
0x8a: {  	v7 =	vld [tilespmem:s30+$0x17D00]  }
0x8b: {  	v6 =	vld [tilespmem:s30+$0x17D10]  }
0x8c: {  	v5 =	vld [tilespmem:s30+$0x17D20]  }
0x8d: {  	v4 =	vld [tilespmem:s30+$0x17D30]  }
0x8e: {  	v3 =	vld [tilespmem:s30+$0x17D40]  }
0x8f: {  	v2 =	vld [tilespmem:s30+$0x17D50]  }
0x90: {  	v1 =	vld [tilespmem:s30+$0x17D60]  }
0x91: {  	v12 =	vld [tilespmem:s30+$0x15500]  }
0x92: {  	v11 =	vld [tilespmem:s30+$0x15510]  }
0x93: {  	v10 =	vld [tilespmem:s30+$0x15520]  }
0x94: {  	v9 =	vld [tilespmem:s30+$0x15530]  }
0x95: {  	v8 =	vld [tilespmem:s30+$0x15540]  }
0x96: {  	s31 =	simm.s32 $0x200;
	v12 =	vmul.f32 v7, v12;
	v7 =	vld [tilespmem:s30+$0x15550]  }
.LBB2_5:
0x97: {  	s0 =	sshra.s32 s31, $0x2;
	p0 =	sne.s32 s31, $0x4E00;
	v11 =	vmul.f32 v6, v11;
	v13 =	vld [tilespmem:s30+$0x15560]  }
0x98: {  	v14 =	vld [tilespmem:s0+$0x17D00];
	[tilespmem:s30+$0x15500] =	vst v12;
	v10 =	vmul.f32 v5, v10  }
0x99: {  	v6 =	vld [tilespmem:s0+$0x17D10];
	[tilespmem:s30+$0x15510] =	vst v11;
	v9 =	vmul.f32 v4, v9  }
0x9a: {  	v5 =	vld [tilespmem:s0+$0x17D20];
	[tilespmem:s30+$0x15520] =	vst v10;
	v8 =	vmul.f32 v3, v8  }
0x9b: {  	v4 =	vld [tilespmem:s0+$0x17D30];
	[tilespmem:s30+$0x15530] =	vst v9;
	v7 =	vmul.f32 v2, v7  }
0x9c: {  	v3 =	vld [tilespmem:s0+$0x17D40];
	[tilespmem:s30+$0x15540] =	vst v8;
	v8 =	vmul.f32 v1, v13  }
0x9d: {  	v2 =	vld [tilespmem:s0+$0x17D50];
	[tilespmem:s30+$0x15550] =	vst v7  }
0x9e: {  	v1 =	vld [tilespmem:s0+$0x17D60];
	[tilespmem:s30+$0x15560] =	vst v8;
	s30 =	smov.u32 s0  }
0x9f: {  	v7 =	vld [tilespmem:s30+$0x15500]  }
.Ltmp1:
0xa0: {  	v11 =	vld [tilespmem:s30+$0x15510];
	(pc) =	sbr.rel @p0 .LBB2_5-.Ltmp1, $4  }
0xa1: {  	v10 =	vld [tilespmem:s30+$0x15520]  }
0xa2: {  	v9 =	vld [tilespmem:s30+$0x15530]  }
0xa3: {  	v8 =	vld [tilespmem:s30+$0x15540]  }
0xa4: {  	s31 =	sadd.s32 $0x200, s31;
	v12 =	vmul.f32 v14, v7;
	v7 =	vld [tilespmem:s30+$0x15550]  }
0xa5: {  	v6 =	vmul.f32 v6, v11;
	v11 =	vld [tilespmem:s30+$0x15560]  }
0xa6: {  	[tilespmem:s30+$0x15500] =	vst v12;
	v5 =	vmul.f32 v5, v10  }
0xa7: {  	[tilespmem:s30+$0x15510] =	vst v6;
	v4 =	vmul.f32 v4, v9  }
0xa8: {  	[tilespmem:s30+$0x15520] =	vst v5;
	v3 =	vmul.f32 v3, v8  }
0xa9: {  	[tilespmem:s30+$0x15530] =	vst v4;
	v2 =	vmul.f32 v2, v7  }
0xaa: {  	[tilespmem:s30+$0x15540] =	vst v3;
	v1 =	vmul.f32 v1, v11  }
0xab: {  	[tilespmem:s30+$0x15550] =	vst v2  }
0xac: {  	[tilespmem:s30+$0x15560] =	vst v1  }
0xad: {  	[spmem:s1] =	stream.indirect.scatter.add.f32 [tilespmem:s2], [sflag:$0x7], $0x80, s17, s13, $0xb8;
	[tilespmem:$0x1A500] =	vst v63  }
0xae: {  	_ =	swait.ge [sflag:s11], $0x1400  }
0xaf: {  	[sflag:s11] =	ssyncset.done $0x0  }
0xb0: {  	[sflag:s11] =	ssyncadd.s32 $0xFFFFEC00  }
0xb1: {  	_ =	swait.ge [sflag:s23], $0x1400  }
0xb2: {  	[sflag:s23] =	ssyncset.done $0x0  }
0xb3: {  	[sflag:s23] =	ssyncadd.s32 $0xFFFFEC00  }
0xb4: {  	_ =	swait.ge [sflag:s24], $0x28  }
0xb5: {  	[sflag:s24] =	ssyncset.done $0x0  }
0xb6: {  	s30 =	simm.s32 $0x0;
	[sflag:s24] =	ssyncadd.s32 $0xFFFFFFD8  }
0xb7: {  	v7 =	vld [tilespmem:s30+$0x19100]  }
0xb8: {  	v6 =	vld [tilespmem:s30+$0x19110]  }
0xb9: {  	v5 =	vld [tilespmem:s30+$0x19120]  }
0xba: {  	v4 =	vld [tilespmem:s30+$0x19130]  }
0xbb: {  	v3 =	vld [tilespmem:s30+$0x19140]  }
0xbc: {  	v2 =	vld [tilespmem:s30+$0x19150]  }
0xbd: {  	v1 =	vld [tilespmem:s30+$0x19160]  }
0xbe: {  	v12 =	vld [tilespmem:s30+$0x16900]  }
0xbf: {  	v11 =	vld [tilespmem:s30+$0x16910]  }
0xc0: {  	v10 =	vld [tilespmem:s30+$0x16920]  }
0xc1: {  	v9 =	vld [tilespmem:s30+$0x16930]  }
0xc2: {  	v8 =	vld [tilespmem:s30+$0x16940]  }
0xc3: {  	s31 =	simm.s32 $0x200;
	v12 =	vmul.f32 v7, v12;
	v7 =	vld [tilespmem:s30+$0x16950]  }
.LBB2_7:
0xc4: {  	s0 =	sshra.s32 s31, $0x2;
	p0 =	sne.s32 s31, $0x4E00;
	v11 =	vmul.f32 v6, v11;
	v13 =	vld [tilespmem:s30+$0x16960]  }
0xc5: {  	v14 =	vld [tilespmem:s0+$0x19100];
	[tilespmem:s30+$0x16900] =	vst v12;
	v10 =	vmul.f32 v5, v10  }
0xc6: {  	v6 =	vld [tilespmem:s0+$0x19110];
	[tilespmem:s30+$0x16910] =	vst v11;
	v9 =	vmul.f32 v4, v9  }
0xc7: {  	v5 =	vld [tilespmem:s0+$0x19120];
	[tilespmem:s30+$0x16920] =	vst v10;
	v8 =	vmul.f32 v3, v8  }
0xc8: {  	v4 =	vld [tilespmem:s0+$0x19130];
	[tilespmem:s30+$0x16930] =	vst v9;
	v7 =	vmul.f32 v2, v7  }
0xc9: {  	v3 =	vld [tilespmem:s0+$0x19140];
	[tilespmem:s30+$0x16940] =	vst v8;
	v8 =	vmul.f32 v1, v13  }
0xca: {  	v2 =	vld [tilespmem:s0+$0x19150];
	[tilespmem:s30+$0x16950] =	vst v7  }
0xcb: {  	v1 =	vld [tilespmem:s0+$0x19160];
	[tilespmem:s30+$0x16960] =	vst v8;
	s30 =	smov.u32 s0  }
0xcc: {  	v7 =	vld [tilespmem:s30+$0x16900]  }
.Ltmp2:
0xcd: {  	v11 =	vld [tilespmem:s30+$0x16910];
	(pc) =	sbr.rel @p0 .LBB2_7-.Ltmp2, $4  }
0xce: {  	v10 =	vld [tilespmem:s30+$0x16920]  }
0xcf: {  	v9 =	vld [tilespmem:s30+$0x16930]  }
0xd0: {  	v8 =	vld [tilespmem:s30+$0x16940]  }
0xd1: {  	s31 =	sadd.s32 $0x200, s31;
	v12 =	vmul.f32 v14, v7;
	v7 =	vld [tilespmem:s30+$0x16950]  }
0xd2: {  	v6 =	vmul.f32 v6, v11;
	v63 =	vld [tilespmem:s30+$0x16960]  }
0xd3: {  	[tilespmem:s30+$0x16900] =	vst v12;
	v5 =	vmul.f32 v5, v10  }
0xd4: {  	[tilespmem:s30+$0x16910] =	vst v6;
	v4 =	vmul.f32 v4, v9  }
0xd5: {  	p0 =	seq.s32 s29, $0x3F;
	[tilespmem:s30+$0x16920] =	vst v5;
	v3 =	vmul.f32 v3, v8  }
.Ltmp3:
0xd6: {  	[tilespmem:s30+$0x16930] =	vst v4;
	v2 =	vmul.f32 v2, v7;
	(pc) =	sbr.rel @p0 .LBB2_10-.Ltmp3, $4  }
0xd7: {  	[tilespmem:s30+$0x16940] =	vst v3;
	v1 =	vmul.f32 v1, v63  }
0xd8: {  	[tilespmem:s30+$0x16950] =	vst v2  }
0xd9: {  	[tilespmem:s30+$0x16960] =	vst v1  }
0xda: {  	[spmem:s1] =	stream.indirect.scatter.add.f32 [tilespmem:s18], [sflag:$0x8], $0x80, s20, s13, $0xb8;
	[tilespmem:$0x1A500] =	vst v63  }
0xdb: {  	s0 =	sshll.u32 s29, $0x1  }
0xdc: {  	s30 =	sadd.s32 $0x2, s0  }
0xdd: {  	_ =	swait.ge [sflag:s26], $0x1400;
	s31 =	smul.u32 $0x28, s30  }
0xde: {  	[sflag:s26] =	ssyncset.done $0x0;
	s30 =	sadd.s32 s8, s30  }
0xdf: {  	[sflag:s26] =	ssyncadd.s32 $0xFFFFEC00;
	s30 =	smul.u32 $0x280, s30;
	s16 =	sadd.s32 $0x14000, s31  }
0xe0: {  	[tilespmem:s2], [sflag:$0x1] =	stream.indirect.gather [hbm4b:s4+s13], $0x80, s16, s13, $0xb8;
	[tilespmem:$0x1A500] =	vst v63  }
0xe1: {  	s30 =	sadd.s32 s5, s30  }
0xe2: {  	[tilespmem:s15], [sflag:$0x3] =	stream.linear.gather [hbm4b:s30+s3], $0x1400, $0x38;
	[tilespmem:$0x1A500] =	vst v63  }
0xe3: {  	s30 =	sadd.s32 s7, s31  }
0xe4: {  	s0 =	sadd.s32 s8, s0;
	s16 =	sshrl.u32 s30, $0x3  }
0xe5: {  	s0 =	smul.u32 $0x280, s0;
	s16 =	sadd.s32 s6, s16  }
0xe6: {  	[tilespmem:s17], [sflag:$0x5] =	stream.linear.gather [hbm4b:s16+s3], $0x28, $0x38;
	[tilespmem:$0x1A500] =	vst v63  }
0xe7: {  	s16 =	smul.u32 $0x50, s29;
	_ =	swait.ge [sflag:s28], $0x1400  }
0xe8: {  	s0 =	sadd.s32 s5, s0;
	[sflag:s28] =	ssyncset.done $0x0  }
0xe9: {  	s31 =	sadd.s32 $0x14078, s16;
	s16 =	sadd.s32 s7, s16;
	[sflag:s28] =	ssyncadd.s32 $0xFFFFEC00  }
0xea: {  	[tilespmem:s18], [sflag:$0x2] =	stream.indirect.gather [hbm4b:s4+s13], $0x80, s31, s13, $0xb8;
	[tilespmem:$0x1A500] =	vst v63  }
.Ltmp4:
0xeb: {  	s0 =	sadd.s32 $0x780, s0;
	s31 =	sadd.s32 $0x78, s16;
	(pc) =	sbr.rel .LBB2_4-.Ltmp4, $4  }
0xec: {  	[tilespmem:s19], [sflag:$0x4] =	stream.linear.gather [hbm4b:s0+s3], $0x1400, $0x38;
	[tilespmem:$0x1A500] =	vst v63  }
0xed: {  	s0 =	sshrl.u32 s31, $0x3  }
0xee: {  	s29 =	sadd.s32 $0x1, s29;
	s0 =	sadd.s32 s6, s0  }
0xef: {  	[tilespmem:s20], [sflag:$0x6] =	stream.linear.gather [hbm4b:s0+s3], $0x28, $0x38;
	[tilespmem:$0x1A500] =	vst v63  }
.LBB2_10:
0xf0: {  	_ =	swait.ge [sflag:s26], $0x1400  }
0xf1: {  	[sflag:s26] =	ssyncset.done $0x0  }
0xf2: {  	[sflag:s26] =	ssyncadd.s32 $0xFFFFEC00  }
0xf3: {  	_ =	swait.ge [sflag:s28], $0x1400  }
0xf4: {  	s0 =	stileid.u32;
	[sflag:s28] =	ssyncset.done $0x0  }
0xf5: {  	s16 =	sadd.s32 $0x0, s25;
	s0 =	sshll.u32 s0, $0x6;
	[sflag:s28] =	ssyncadd.s32 $0xFFFFEC00  }
0xf6: {  	s29 =	sor.u32 $0x1C09, s0;
	s0 =	sshrl.u32 s14, $0x3;
	[bflag:$0x0] =	sbarrier.arrive $0xFFFF  }
0xf7: {  	[hbm:s16], [sflag:s29] =	dma.local [spmem:s0], $0x280  }
0xf8: {  	_ =	swait.ge [sflag:s9], $0x280  }
0xf9: {  	s30 =	simm.s32 $0x280;
	s31 =	rddreg [dreg:$0xa]  }
.LBB2_11:
0xfa: {  	s0 =	sadd.s32 s30, s25;
	[sflag:s9] =	ssyncset.done $0x0;
	p0 =	sne.s32 s30, $0x2580  }
.Ltmp5:
0xfb: {  	s16 =	sshrl.u32 s31, $0x3;
	[sflag:s9] =	ssyncadd.s32 $0xFFFFFD80;
	(pc) =	sbr.rel @p0 .LBB2_11-.Ltmp5, $3  }
0xfc: {  	[hbm:s0], [sflag:s29] =	dma.local [spmem:s16], $0x280  }
0xfd: {  	s30 =	sadd.s32 $0x280, s30;
	_ =	sdelay $0x1  }
0xfe: {  	s31 =	sadd.s32 $0x1400, s31;
	_ =	swait.ge [sflag:s9], $0x280  }
0xff: {  	s12 =	sadd.s32 $0x1, s12;
	s0 =	rddreg [dreg:$0x9]  }
0x100: {  	p0 =	sne.s32 s12, s0  }
.Ltmp6:
0x101: {  	_ = 	snop;
	(pc) =	sbr.rel @p0 .LBB2_1-.Ltmp6, $3  }
0x102: {  	_ =	sdelay $0x1  }
0x103: {  	[sflag:s9] =	ssyncset.done $0x0  }
0x104: {  	[sflag:s9] =	ssyncadd.s32 $0xFFFFFD80  }
0x105: {  	_ =	sfence.sel $0x180000  }
0x106: {  	[bflag:$0x0] =	sbarrier.arrive $0xFFFF  }
0x107: {  	_ =	strace $0x90000047  }
0x108: {  	s0 =	stileid.u32;
	[bflag:$0x2] =	sbarrier.arrive $0xFFFF  }
0x109: {  	p0 =	sne.s32 s0, $0x0;
	s0 =	rddreg [dreg:$0x3]  }
0x10a: {  	s0 =	sadd.s32 @!p0 $0x100000, s0  }
0x10b: {  	[sflag:s0] =	ssyncadd.tile.s32 @!p0 $0x1;
	_ =	shalt  }
.Lfunc_end2:
_tile_overlayer_lowered:
.L_overlay_start_2:
0x10c: {  	(tag) =	ssettag $0x2  }
0x10d: {  	s0 =	rddreg [dreg:$0x0];
	s2 =	stileid.u32  }
0x10e: {  	s1 =	rddreg [dreg:$0x1];
	p0 =	sne.s32 s2, $0x0  }
0x10f: {  	s3 =	rddreg [dreg:$0x2];
	[bflag:$0x3] =	sbarrier.arrive $0xFFFF;
	s2 =	simm.s32 @!p0 $0x1C09  }
0x110: {  	[timem:s3], [sflag:s2] =	dma.local @!p0 [hbm:s0], s1  }
0x111: {  	s0 =	simm.s32 @!p0 $0x9  }
0x112: {  	_ =	swait.ge @!p0 [sflag:s0], s1  }
0x113: {  	s1 =	ssub.s32 @!p0 $0x0, s1;
	[sflag:s0] =	ssyncset.done @!p0 $0x0  }
0x114: {  	[sflag:s0] =	ssyncadd.s32 @!p0 s1  }
0x115: {  	[bflag:$0x3] =	sbarrier.arrive $0xFFFF  }
0x116: {  	_ =	shalt  }

</sc_bundles>
